<compile_context>
chip_gen: v7x
topology: tpu7x:2x2x1
jax: 0.10.2.dev20260603
libtpu: 0.0.44.dev20260713+nightly
codegen_flags: <defaults>
</compile_context>

<pallas_src>
import functools

import jax
import jax.numpy as jnp
from jax import lax
from jax.experimental import pallas as pl
from jax.experimental.pallas import tpu as pltpu
from jax.experimental.pallas import tpu_sc as plsc

B, D, S = 4, 1024, 8192
NW = 32
N_DG = 16
D_PER_W = D // N_DG
PE_DW = 128
N_SR = NW // N_DG
S_PER_W = S // N_SR
S_CHUNK = 128
N_CHUNKS = S_PER_W // S_CHUNK
L = 16


def _sc_body(x_hbm, pe_hbm, out_hbm, xt, pet, xsem, psem, osem):
    wid = lax.axis_index("s") * 2 + lax.axis_index("c")
    dg = wid % N_DG
    d0 = dg * D_PER_W
    pe_d0 = (dg // 2) * PE_DW
    d_half = (dg % 2) * D_PER_W
    s_base = (wid // N_DG) * S_PER_W
    iota = lax.iota(jnp.int32, L)

    def pe_copy(c):
        s0 = s_base + c * S_CHUNK
        return pltpu.make_async_copy(
            pe_hbm.at[pl.ds(s0, S_CHUNK), pl.ds(pe_d0, PE_DW)],
            pet.at[c % 2], psem.at[c % 2])

    def x_copy(c, p):
        s0 = s_base + c * S_CHUNK
        return pltpu.make_async_copy(
            x_hbm.at[:, pl.ds(d0, D_PER_W), pl.ds(s0, S_CHUNK)],
            xt.at[p], xsem.at[p])

    def out_copy(c, p):
        s0 = s_base + c * S_CHUNK
        return pltpu.make_async_copy(
            xt.at[p],
            out_hbm.at[:, pl.ds(d0, D_PER_W), pl.ds(s0, S_CHUNK)],
            osem.at[p])

    pe_copy(0).start()
    x_copy(0, 0).start()

    def chunk_body(c, carry):
        p = c % 2
        q = 1 - p

        @pl.when(c >= 1)
        def _():
            out_copy(c - 1, q).wait()

        @pl.when(c + 1 < N_CHUNKS)
        def _():
            pe_copy(c + 1).start()
            x_copy(c + 1, q).start()

        pe_copy(c).wait()
        x_copy(c, p).wait()

        @plsc.parallel_loop(0, D_PER_W, 1, unroll=2)
        def d_body(d):
            d_idx = jnp.zeros((L,), jnp.int32) + (d_half + d)
            pvs = [plsc.load_gather(pet.at[p], [sj * L + iota, d_idx])
                   for sj in range(S_CHUNK // L)]
            for b in range(B):
                for sj in range(S_CHUNK // L):
                    plsc.addupdate(xt.at[p, b, d, pl.ds(sj * L, L)], pvs[sj])

        out_copy(c, p).start()
        return carry

    lax.fori_loop(0, N_CHUNKS, chunk_body, 0)

    out_copy(N_CHUNKS - 1, (N_CHUNKS - 1) % 2).wait()


def kernel(x, pe_table):
    mesh = plsc.VectorSubcoreMesh(core_axis_name="c", subcore_axis_name="s")
    k = functools.partial(
        pl.kernel,
        mesh=mesh,
        out_type=jax.ShapeDtypeStruct((B, D, S), jnp.float32),
        scratch_types=[
            pltpu.VMEM((2, B, D_PER_W, S_CHUNK), jnp.float32),
            pltpu.VMEM((2, S_CHUNK, PE_DW), jnp.float32),
            pltpu.SemaphoreType.DMA((2,)),
            pltpu.SemaphoreType.DMA((2,)),
            pltpu.SemaphoreType.DMA((2,)),
        ],
        compiler_params=pltpu.CompilerParams(needs_layout_passes=False),
    )(_sc_body)
    return k(x, pe_table)

# --- scband reference (transcript-rebuilt; emitter-appended) ---
"""Pipeline reference for scband-learnable-positional-encoding-59949153518103 (READ-ONLY COPY).

The authoritative reference and input builder live on the scoring server;
editing this copy changes nothing except your own understanding.
"""

import jax, jax.numpy as jnp
import numpy as np

D_MODEL = 1024
MAX_LEN = 10000

def setup_inputs(seed: int = 0) -> dict:
    key = jax.random.key(seed)
    k1, k2 = jax.random.split(key)
    x = jax.random.normal(k1, (4, D_MODEL, 8192), dtype=jnp.float32)
    # nn.Embedding default init: N(0, 1)
    pe_table = jax.random.normal(k2, (MAX_LEN, D_MODEL), dtype=jnp.float32)
    return {"x": x, "pe_table": pe_table}

def reference(x, pe_table):
    # x: [B, d_model, seq_len]
    seq_len = x.shape[-1]
    position_ids = jnp.arange(seq_len)  # buffer position_ids[:, :seq_len], squeezed
    # embedding lookup: [1, seq_len, d_model]
    position_embeddings = jnp.take(pe_table, position_ids, axis=0)[None, :, :]
    # transpose(1, 2) -> [1, d_model, seq_len]
    position_embeddings = jnp.transpose(position_embeddings, (0, 2, 1))
    return x + position_embeddings

if __name__ == "__main__":
    import jax
    _d = setup_inputs()
    print(jax.jit(kernel)(*tuple(_d.values())))

</pallas_src>

<mosaic_0001>
#map = affine_map<(d0, d1) -> (0, 0, 0)>
#map1 = affine_map<(d0, d1) -> (0, 0)>
module attributes {stable_mosaic.version = 14 : i64} {
  func.func @_sc_body(%arg0: i32, %arg1: i32, %arg2: memref<4x1024x8192xf32, #tpu.memory_space<hbm>>, %arg3: memref<10000x1024xf32, #tpu.memory_space<hbm>>, %arg4: memref<4x1024x8192xf32, #tpu.memory_space<hbm>>, %arg5: memref<2x4x64x128xf32, #tpu.memory_space<vmem>>, %arg6: memref<2x128x128xf32, #tpu.memory_space<vmem>>, %arg7: memref<2x!tpu.dma_semaphore, #tpu.memory_space<semaphore_mem>>, %arg8: memref<2x!tpu.dma_semaphore, #tpu.memory_space<semaphore_mem>>, %arg9: memref<2x!tpu.dma_semaphore, #tpu.memory_space<semaphore_mem>>) attributes {dimension_semantics = [#tpu.dimension_semantics<core_parallel>, #tpu.dimension_semantics<subcore_parallel>], iteration_bounds = array<i64: 2, 16>, scalar_prefetch = 0 : i64, scratch_operands = 5 : i64, tpu.core_type = #tpu.core_type<sc_vector_subcore>, window_params = [{transform_indices = #map}, {transform_indices = #map1}, {transform_indices = #map}]} {
    %mul3A = arith.constant 2 : i32
    %mul3A_0 = arith.muli %arg1, %mul3A : i32
    %add3A = arith.addi %mul3A_0, %arg0 : i32
    %jit3A = arith.constant 16 : i32
    %eq3A = arith.constant 0 : i32
    %eq3A_1 = arith.cmpi eq, %jit3A, %eq3A : i32
    %jit3A_2 = arith.constant 1 : i32
    %select_n3A = arith.select %eq3A_1, %jit3A_2, %jit3A : i32
    %rem3A = arith.remsi %add3A, %select_n3A : i32
    %ne3A = arith.constant 0 : i32
    %ne3A_3 = arith.cmpi ne, %rem3A, %ne3A : i32
    %lt3A = arith.constant 0 : i32
    %lt3A_4 = arith.cmpi slt, %rem3A, %lt3A : i32
    %lt3A_5 = arith.constant 0 : i32
    %lt3A_6 = arith.cmpi slt, %select_n3A, %lt3A_5 : i32
    %ne3A_7 = arith.xori %lt3A_4, %lt3A_6 : i1
    %and3A = arith.andi %ne3A_7, %ne3A_3 : i1
    %add3A_8 = arith.addi %rem3A, %select_n3A : i32
    %select_n3A_9 = arith.select %and3A, %add3A_8, %rem3A : i32
    %mul3A_10 = arith.constant 64 : i32
    %mul3A_11 = arith.muli %select_n3A_9, %mul3A_10 : i32
    %jit3A_12 = arith.constant 2 : i32
    %div3A = arith.divsi %select_n3A_9, %jit3A_12 : i32
    %sign3A = arith.constant 0 : i32
    %sign3A_13 = arith.cmpi sgt, %select_n3A_9, %sign3A : i32
    %sign3A_14 = arith.extui %sign3A_13 : i1 to i32
    %sign3A_15 = arith.constant 0 : i32
    %sign3A_16 = arith.cmpi slt, %select_n3A_9, %sign3A_15 : i32
    %sign3A_17 = arith.extui %sign3A_16 : i1 to i32
    %sign3A_18 = arith.subi %sign3A_14, %sign3A_17 : i32
    %sign3A_19 = arith.constant 0 : i32
    %sign3A_20 = arith.cmpi sgt, %jit3A_12, %sign3A_19 : i32
    %sign3A_21 = arith.extui %sign3A_20 : i1 to i32
    %sign3A_22 = arith.constant 0 : i32
    %sign3A_23 = arith.cmpi slt, %jit3A_12, %sign3A_22 : i32
    %sign3A_24 = arith.extui %sign3A_23 : i1 to i32
    %sign3A_25 = arith.subi %sign3A_21, %sign3A_24 : i32
    %ne3A_26 = arith.cmpi ne, %sign3A_18, %sign3A_25 : i32
    %rem3A_27 = arith.remsi %select_n3A_9, %jit3A_12 : i32
    %ne3A_28 = arith.constant 0 : i32
    %ne3A_29 = arith.cmpi ne, %rem3A_27, %ne3A_28 : i32
    %and3A_30 = arith.andi %ne3A_26, %ne3A_29 : i1
    %sub3A = arith.constant 1 : i32
    %sub3A_31 = arith.subi %div3A, %sub3A : i32
    %select_n3A_32 = arith.select %and3A_30, %sub3A_31, %div3A : i32
    %mul3A_33 = arith.constant 128 : i32
    %mul3A_34 = arith.muli %select_n3A_32, %mul3A_33 : i32
    %jit3A_35 = arith.constant 2 : i32
    %eq3A_36 = arith.constant 0 : i32
    %eq3A_37 = arith.cmpi eq, %jit3A_35, %eq3A_36 : i32
    %jit3A_38 = arith.constant 1 : i32
    %select_n3A_39 = arith.select %eq3A_37, %jit3A_38, %jit3A_35 : i32
    %rem3A_40 = arith.remsi %select_n3A_9, %select_n3A_39 : i32
    %ne3A_41 = arith.constant 0 : i32
    %ne3A_42 = arith.cmpi ne, %rem3A_40, %ne3A_41 : i32
    %lt3A_43 = arith.constant 0 : i32
    %lt3A_44 = arith.cmpi slt, %rem3A_40, %lt3A_43 : i32
    %lt3A_45 = arith.constant 0 : i32
    %lt3A_46 = arith.cmpi slt, %select_n3A_39, %lt3A_45 : i32
    %ne3A_47 = arith.xori %lt3A_44, %lt3A_46 : i1
    %and3A_48 = arith.andi %ne3A_47, %ne3A_42 : i1
    %add3A_49 = arith.addi %rem3A_40, %select_n3A_39 : i32
    %select_n3A_50 = arith.select %and3A_48, %add3A_49, %rem3A_40 : i32
    %mul3A_51 = arith.constant 64 : i32
    %mul3A_52 = arith.muli %select_n3A_50, %mul3A_51 : i32
    %jit3A_53 = arith.constant 16 : i32
    %div3A_54 = arith.divsi %add3A, %jit3A_53 : i32
    %sign3A_55 = arith.constant 0 : i32
    %sign3A_56 = arith.cmpi sgt, %add3A, %sign3A_55 : i32
    %sign3A_57 = arith.extui %sign3A_56 : i1 to i32
    %sign3A_58 = arith.constant 0 : i32
    %sign3A_59 = arith.cmpi slt, %add3A, %sign3A_58 : i32
    %sign3A_60 = arith.extui %sign3A_59 : i1 to i32
    %sign3A_61 = arith.subi %sign3A_57, %sign3A_60 : i32
    %sign3A_62 = arith.constant 0 : i32
    %sign3A_63 = arith.cmpi sgt, %jit3A_53, %sign3A_62 : i32
    %sign3A_64 = arith.extui %sign3A_63 : i1 to i32
    %sign3A_65 = arith.constant 0 : i32
    %sign3A_66 = arith.cmpi slt, %jit3A_53, %sign3A_65 : i32
    %sign3A_67 = arith.extui %sign3A_66 : i1 to i32
    %sign3A_68 = arith.subi %sign3A_64, %sign3A_67 : i32
    %ne3A_69 = arith.cmpi ne, %sign3A_61, %sign3A_68 : i32
    %rem3A_70 = arith.remsi %add3A, %jit3A_53 : i32
    %ne3A_71 = arith.constant 0 : i32
    %ne3A_72 = arith.cmpi ne, %rem3A_70, %ne3A_71 : i32
    %and3A_73 = arith.andi %ne3A_69, %ne3A_72 : i1
    %sub3A_74 = arith.constant 1 : i32
    %sub3A_75 = arith.subi %div3A_54, %sub3A_74 : i32
    %select_n3A_76 = arith.select %and3A_73, %sub3A_75, %div3A_54 : i32
    %mul3A_77 = arith.constant 4096 : i32
    %mul3A_78 = arith.muli %select_n3A_76, %mul3A_77 : i32
    %iota3A = tpu.iota {dimensions = array<i32: 0>} : vector<16xi32>
    %add3A_79 = arith.constant 0 : i32
    %add3A_80 = arith.addi %mul3A_78, %add3A_79 : i32
    %dma_start3A = arith.constant 0 : i32
    %dma_start3A_81 = arith.constant 0 : i32
    %dma_start3A_82 = arith.constant 0 : i32
    %dma_start3A_83 = arith.constant 0 : i32
    %dma_start3A_84 = tpu.memref_slice %arg6[%dma_start3A, %dma_start3A_82, %dma_start3A_83] : memref<2x128x128xf32, #tpu.memory_space<vmem>> -> memref<1x128x128xf32, #tpu.memory_space<vmem>>
    %dma_start3A_85 = tpu.memref_squeeze %dma_start3A_84 : memref<1x128x128xf32, #tpu.memory_space<vmem>> -> memref<128x128xf32, #tpu.memory_space<vmem>>
    %dma_start3A_86 = tpu.memref_slice %arg3[%add3A_80, %mul3A_34] : memref<10000x1024xf32, #tpu.memory_space<hbm>> -> memref<128x128xf32, #tpu.memory_space<hbm>>
    %dma_start3A_87 = tpu.memref_slice %arg8[%dma_start3A_81] : memref<2x!tpu.dma_semaphore, #tpu.memory_space<semaphore_mem>> -> memref<1x!tpu.dma_semaphore, #tpu.memory_space<semaphore_mem>>
    %dma_start3A_88 = tpu.memref_squeeze %dma_start3A_87 : memref<1x!tpu.dma_semaphore, #tpu.memory_space<semaphore_mem>> -> memref<!tpu.dma_semaphore, #tpu.memory_space<semaphore_mem>>
    %dma_start3A_89 = arith.constant 0 : i32
    %dma_start3A_90 = arith.constant 0 : i32
    %dma_start3A_91 = tpu.memref_slice %arg6[%dma_start3A, %dma_start3A_89, %dma_start3A_90] : memref<2x128x128xf32, #tpu.memory_space<vmem>> -> memref<1x128x128xf32, #tpu.memory_space<vmem>>
    %dma_start3A_92 = tpu.memref_squeeze %dma_start3A_91 : memref<1x128x128xf32, #tpu.memory_space<vmem>> -> memref<128x128xf32, #tpu.memory_space<vmem>>
    %dma_start3A_93 = tpu.memref_slice %arg3[%add3A_80, %mul3A_34] : memref<10000x1024xf32, #tpu.memory_space<hbm>> -> memref<128x128xf32, #tpu.memory_space<hbm>>
    tpu.enqueue_dma source(%dma_start3A_93 : memref<128x128xf32, #tpu.memory_space<hbm>>) target(%dma_start3A_92 : memref<128x128xf32, #tpu.memory_space<vmem>>) target_semaphore(%dma_start3A_88 : memref<!tpu.dma_semaphore, #tpu.memory_space<semaphore_mem>>)
    %add3A_94 = arith.constant 0 : i32
    %add3A_95 = arith.addi %mul3A_78, %add3A_94 : i32
    %dma_start3A_96 = arith.constant 0 : i32
    %dma_start3A_97 = arith.constant 0 : i32
    %dma_start3A_98 = arith.constant 0 : i32
    %dma_start3A_99 = arith.constant 0 : i32
    %dma_start3A_100 = arith.constant 0 : i32
    %dma_start3A_101 = tpu.memref_slice %arg5[%dma_start3A_96, %dma_start3A_98, %dma_start3A_99, %dma_start3A_100] : memref<2x4x64x128xf32, #tpu.memory_space<vmem>> -> memref<1x4x64x128xf32, #tpu.memory_space<vmem>>
    %dma_start3A_102 = tpu.memref_squeeze %dma_start3A_101 : memref<1x4x64x128xf32, #tpu.memory_space<vmem>> -> memref<4x64x128xf32, #tpu.memory_space<vmem>>
    %dma_start3A_103 = arith.constant 0 : i32
    %dma_start3A_104 = tpu.memref_slice %arg2[%dma_start3A_103, %mul3A_11, %add3A_95] : memref<4x1024x8192xf32, #tpu.memory_space<hbm>> -> memref<4x64x128xf32, #tpu.memory_space<hbm>>
    %dma_start3A_105 = tpu.memref_slice %arg7[%dma_start3A_97] : memref<2x!tpu.dma_semaphore, #tpu.memory_space<semaphore_mem>> -> memref<1x!tpu.dma_semaphore, #tpu.memory_space<semaphore_mem>>
    %dma_start3A_106 = tpu.memref_squeeze %dma_start3A_105 : memref<1x!tpu.dma_semaphore, #tpu.memory_space<semaphore_mem>> -> memref<!tpu.dma_semaphore, #tpu.memory_space<semaphore_mem>>
    %dma_start3A_107 = arith.constant 0 : i32
    %dma_start3A_108 = arith.constant 0 : i32
    %dma_start3A_109 = arith.constant 0 : i32
    %dma_start3A_110 = tpu.memref_slice %arg5[%dma_start3A_96, %dma_start3A_107, %dma_start3A_108, %dma_start3A_109] : memref<2x4x64x128xf32, #tpu.memory_space<vmem>> -> memref<1x4x64x128xf32, #tpu.memory_space<vmem>>
    %dma_start3A_111 = tpu.memref_squeeze %dma_start3A_110 : memref<1x4x64x128xf32, #tpu.memory_space<vmem>> -> memref<4x64x128xf32, #tpu.memory_space<vmem>>
    %dma_start3A_112 = arith.constant 0 : i32
    %dma_start3A_113 = tpu.memref_slice %arg2[%dma_start3A_112, %mul3A_11, %add3A_95] : memref<4x1024x8192xf32, #tpu.memory_space<hbm>> -> memref<4x64x128xf32, #tpu.memory_space<hbm>>
    tpu.enqueue_dma source(%dma_start3A_113 : memref<4x64x128xf32, #tpu.memory_space<hbm>>) target(%dma_start3A_111 : memref<4x64x128xf32, #tpu.memory_space<vmem>>) target_semaphore(%dma_start3A_106 : memref<!tpu.dma_semaphore, #tpu.memory_space<semaphore_mem>>)
    %scan3A = arith.constant 0 : i32
    %scan3A_114 = arith.constant 0 : i32
    %scan3A_115 = arith.constant 32 : i32
    %scan3A_116 = arith.addi %scan3A_114, %scan3A_115 : i32
    %scan3A_117 = arith.constant 1 : i32
    scf.for %scan3A_138 = %scan3A_114 to %scan3A_116 step %scan3A_117  : i32 {
      %jit3A_139 = arith.constant 2 : i32
      %eq3A_140 = arith.constant 0 : i32
      %eq3A_141 = arith.cmpi eq, %jit3A_139, %eq3A_140 : i32
      %jit3A_142 = arith.constant 1 : i32
      %select_n3A_143 = arith.select %eq3A_141, %jit3A_142, %jit3A_139 : i32
      %rem3A_144 = arith.remsi %scan3A_138, %select_n3A_143 : i32
      %ne3A_145 = arith.constant 0 : i32
      %ne3A_146 = arith.cmpi ne, %rem3A_144, %ne3A_145 : i32
      %lt3A_147 = arith.constant 0 : i32
      %lt3A_148 = arith.cmpi slt, %rem3A_144, %lt3A_147 : i32
      %lt3A_149 = arith.constant 0 : i32
      %lt3A_150 = arith.cmpi slt, %select_n3A_143, %lt3A_149 : i32
      %ne3A_151 = arith.xori %lt3A_148, %lt3A_150 : i1
      %and3A_152 = arith.andi %ne3A_151, %ne3A_146 : i1
      %add3A_153 = arith.addi %rem3A_144, %select_n3A_143 : i32
      %select_n3A_154 = arith.select %and3A_152, %add3A_153, %rem3A_144 : i32
      %sub3A_155 = arith.constant 1 : i32
      %sub3A_156 = arith.subi %sub3A_155, %select_n3A_154 : i32
      %ge3A = arith.constant 1 : i32
      %ge3A_157 = arith.cmpi sge, %scan3A_138, %ge3A : i32
      %convert_element_type3A = arith.extui %ge3A_157 : i1 to i32
      %cond3A = arith.constant 0 : i32
      %cond3A_158 = arith.cmpi ne, %convert_element_type3A, %cond3A : i32
      scf.if %cond3A_158 {
        %sub3A_253 = arith.constant 1 : i32
        %sub3A_254 = arith.subi %scan3A_138, %sub3A_253 : i32
        %mul3A_255 = arith.constant 128 : i32
        %mul3A_256 = arith.muli %sub3A_254, %mul3A_255 : i32
        %add3A_257 = arith.addi %mul3A_78, %mul3A_256 : i32
        %dma_wait3A_258 = arith.constant 0 : i32
        %dma_wait3A_259 = arith.constant 0 : i32
        %dma_wait3A_260 = arith.constant 0 : i32
        %dma_wait3A_261 = tpu.memref_slice %arg5[%sub3A_156, %dma_wait3A_258, %dma_wait3A_259, %dma_wait3A_260] : memref<2x4x64x128xf32, #tpu.memory_space<vmem>> -> memref<1x4x64x128xf32, #tpu.memory_space<vmem>>
        %dma_wait3A_262 = tpu.memref_squeeze %dma_wait3A_261 : memref<1x4x64x128xf32, #tpu.memory_space<vmem>> -> memref<4x64x128xf32, #tpu.memory_space<vmem>>
        %dma_wait3A_263 = arith.constant 0 : i32
        %dma_wait3A_264 = tpu.memref_slice %arg4[%dma_wait3A_263, %mul3A_11, %add3A_257] : memref<4x1024x8192xf32, #tpu.memory_space<hbm>> -> memref<4x64x128xf32, #tpu.memory_space<hbm>>
        %dma_wait3A_265 = tpu.memref_slice %arg9[%sub3A_156] : memref<2x!tpu.dma_semaphore, #tpu.memory_space<semaphore_mem>> -> memref<1x!tpu.dma_semaphore, #tpu.memory_space<semaphore_mem>>
        %dma_wait3A_266 = tpu.memref_squeeze %dma_wait3A_265 : memref<1x!tpu.dma_semaphore, #tpu.memory_space<semaphore_mem>> -> memref<!tpu.dma_semaphore, #tpu.memory_space<semaphore_mem>>
        %dma_wait3A_267 = arith.constant 0 : i32
        %dma_wait3A_268 = tpu.memref_slice %arg4[%dma_wait3A_267, %mul3A_11, %add3A_257] : memref<4x1024x8192xf32, #tpu.memory_space<hbm>> -> memref<4x64x128xf32, #tpu.memory_space<hbm>>
        %dma_wait3A_269 = arith.constant 0 : i32
        %dma_wait3A_270 = arith.constant 0 : i32
        %dma_wait3A_271 = arith.constant 0 : i32
        %dma_wait3A_272 = tpu.memref_slice %arg5[%sub3A_156, %dma_wait3A_269, %dma_wait3A_270, %dma_wait3A_271] : memref<2x4x64x128xf32, #tpu.memory_space<vmem>> -> memref<1x4x64x128xf32, #tpu.memory_space<vmem>>
        %dma_wait3A_273 = tpu.memref_squeeze %dma_wait3A_272 : memref<1x4x64x128xf32, #tpu.memory_space<vmem>> -> memref<4x64x128xf32, #tpu.memory_space<vmem>>
        tpu.wait_dma2 semaphore(%dma_wait3A_266 : memref<!tpu.dma_semaphore, #tpu.memory_space<semaphore_mem>>) src(%dma_wait3A_273 : memref<4x64x128xf32, #tpu.memory_space<vmem>>) dst(%dma_wait3A_268 : memref<4x64x128xf32, #tpu.memory_space<hbm>>)
      } else {
      }
      %add3A_159 = arith.constant 1 : i32
      %add3A_160 = arith.addi %scan3A_138, %add3A_159 : i32
      %lt3A_161 = arith.constant 32 : i32
      %lt3A_162 = arith.cmpi slt, %add3A_160, %lt3A_161 : i32
      %convert_element_type3A_163 = arith.extui %lt3A_162 : i1 to i32
      %cond3A_164 = arith.constant 0 : i32
      %cond3A_165 = arith.cmpi ne, %convert_element_type3A_163, %cond3A_164 : i32
      scf.if %cond3A_165 {
        %add3A_253 = arith.constant 1 : i32
        %add3A_254 = arith.addi %scan3A_138, %add3A_253 : i32
        %mul3A_255 = arith.constant 128 : i32
        %mul3A_256 = arith.muli %add3A_254, %mul3A_255 : i32
        %add3A_257 = arith.addi %mul3A_78, %mul3A_256 : i32
        %jit3A_258 = arith.constant 2 : i32
        %eq3A_259 = arith.constant 0 : i32
        %eq3A_260 = arith.cmpi eq, %jit3A_258, %eq3A_259 : i32
        %jit3A_261 = arith.constant 1 : i32
        %select_n3A_262 = arith.select %eq3A_260, %jit3A_261, %jit3A_258 : i32
        %rem3A_263 = arith.remsi %add3A_254, %select_n3A_262 : i32
        %ne3A_264 = arith.constant 0 : i32
        %ne3A_265 = arith.cmpi ne, %rem3A_263, %ne3A_264 : i32
        %lt3A_266 = arith.constant 0 : i32
        %lt3A_267 = arith.cmpi slt, %rem3A_263, %lt3A_266 : i32
        %lt3A_268 = arith.constant 0 : i32
        %lt3A_269 = arith.cmpi slt, %select_n3A_262, %lt3A_268 : i32
        %ne3A_270 = arith.xori %lt3A_267, %lt3A_269 : i1
        %and3A_271 = arith.andi %ne3A_270, %ne3A_265 : i1
        %add3A_272 = arith.addi %rem3A_263, %select_n3A_262 : i32
        %select_n3A_273 = arith.select %and3A_271, %add3A_272, %rem3A_263 : i32
        %jit3A_274 = arith.constant 2 : i32
        %eq3A_275 = arith.constant 0 : i32
        %eq3A_276 = arith.cmpi eq, %jit3A_274, %eq3A_275 : i32
        %jit3A_277 = arith.constant 1 : i32
        %select_n3A_278 = arith.select %eq3A_276, %jit3A_277, %jit3A_274 : i32
        %rem3A_279 = arith.remsi %add3A_254, %select_n3A_278 : i32
        %ne3A_280 = arith.constant 0 : i32
        %ne3A_281 = arith.cmpi ne, %rem3A_279, %ne3A_280 : i32
        %lt3A_282 = arith.constant 0 : i32
        %lt3A_283 = arith.cmpi slt, %rem3A_279, %lt3A_282 : i32
        %lt3A_284 = arith.constant 0 : i32
        %lt3A_285 = arith.cmpi slt, %select_n3A_278, %lt3A_284 : i32
        %ne3A_286 = arith.xori %lt3A_283, %lt3A_285 : i1
        %and3A_287 = arith.andi %ne3A_286, %ne3A_281 : i1
        %add3A_288 = arith.addi %rem3A_279, %select_n3A_278 : i32
        %select_n3A_289 = arith.select %and3A_287, %add3A_288, %rem3A_279 : i32
        %dma_start3A_290 = arith.constant 0 : i32
        %dma_start3A_291 = arith.constant 0 : i32
        %dma_start3A_292 = tpu.memref_slice %arg6[%select_n3A_273, %dma_start3A_290, %dma_start3A_291] : memref<2x128x128xf32, #tpu.memory_space<vmem>> -> memref<1x128x128xf32, #tpu.memory_space<vmem>>
        %dma_start3A_293 = tpu.memref_squeeze %dma_start3A_292 : memref<1x128x128xf32, #tpu.memory_space<vmem>> -> memref<128x128xf32, #tpu.memory_space<vmem>>
        %dma_start3A_294 = tpu.memref_slice %arg3[%add3A_257, %mul3A_34] : memref<10000x1024xf32, #tpu.memory_space<hbm>> -> memref<128x128xf32, #tpu.memory_space<hbm>>
        %dma_start3A_295 = tpu.memref_slice %arg8[%select_n3A_289] : memref<2x!tpu.dma_semaphore, #tpu.memory_space<semaphore_mem>> -> memref<1x!tpu.dma_semaphore, #tpu.memory_space<semaphore_mem>>
        %dma_start3A_296 = tpu.memref_squeeze %dma_start3A_295 : memref<1x!tpu.dma_semaphore, #tpu.memory_space<semaphore_mem>> -> memref<!tpu.dma_semaphore, #tpu.memory_space<semaphore_mem>>
        %dma_start3A_297 = arith.constant 0 : i32
        %dma_start3A_298 = arith.constant 0 : i32
        %dma_start3A_299 = tpu.memref_slice %arg6[%select_n3A_273, %dma_start3A_297, %dma_start3A_298] : memref<2x128x128xf32, #tpu.memory_space<vmem>> -> memref<1x128x128xf32, #tpu.memory_space<vmem>>
        %dma_start3A_300 = tpu.memref_squeeze %dma_start3A_299 : memref<1x128x128xf32, #tpu.memory_space<vmem>> -> memref<128x128xf32, #tpu.memory_space<vmem>>
        %dma_start3A_301 = tpu.memref_slice %arg3[%add3A_257, %mul3A_34] : memref<10000x1024xf32, #tpu.memory_space<hbm>> -> memref<128x128xf32, #tpu.memory_space<hbm>>
        tpu.enqueue_dma source(%dma_start3A_301 : memref<128x128xf32, #tpu.memory_space<hbm>>) target(%dma_start3A_300 : memref<128x128xf32, #tpu.memory_space<vmem>>) target_semaphore(%dma_start3A_296 : memref<!tpu.dma_semaphore, #tpu.memory_space<semaphore_mem>>)
        %add3A_302 = arith.constant 1 : i32
        %add3A_303 = arith.addi %scan3A_138, %add3A_302 : i32
        %mul3A_304 = arith.constant 128 : i32
        %mul3A_305 = arith.muli %add3A_303, %mul3A_304 : i32
        %add3A_306 = arith.addi %mul3A_78, %mul3A_305 : i32
        %dma_start3A_307 = arith.constant 0 : i32
        %dma_start3A_308 = arith.constant 0 : i32
        %dma_start3A_309 = arith.constant 0 : i32
        %dma_start3A_310 = tpu.memref_slice %arg5[%sub3A_156, %dma_start3A_307, %dma_start3A_308, %dma_start3A_309] : memref<2x4x64x128xf32, #tpu.memory_space<vmem>> -> memref<1x4x64x128xf32, #tpu.memory_space<vmem>>
        %dma_start3A_311 = tpu.memref_squeeze %dma_start3A_310 : memref<1x4x64x128xf32, #tpu.memory_space<vmem>> -> memref<4x64x128xf32, #tpu.memory_space<vmem>>
        %dma_start3A_312 = arith.constant 0 : i32
        %dma_start3A_313 = tpu.memref_slice %arg2[%dma_start3A_312, %mul3A_11, %add3A_306] : memref<4x1024x8192xf32, #tpu.memory_space<hbm>> -> memref<4x64x128xf32, #tpu.memory_space<hbm>>
        %dma_start3A_314 = tpu.memref_slice %arg7[%sub3A_156] : memref<2x!tpu.dma_semaphore, #tpu.memory_space<semaphore_mem>> -> memref<1x!tpu.dma_semaphore, #tpu.memory_space<semaphore_mem>>
        %dma_start3A_315 = tpu.memref_squeeze %dma_start3A_314 : memref<1x!tpu.dma_semaphore, #tpu.memory_space<semaphore_mem>> -> memref<!tpu.dma_semaphore, #tpu.memory_space<semaphore_mem>>
        %dma_start3A_316 = arith.constant 0 : i32
        %dma_start3A_317 = arith.constant 0 : i32
        %dma_start3A_318 = arith.constant 0 : i32
        %dma_start3A_319 = tpu.memref_slice %arg5[%sub3A_156, %dma_start3A_316, %dma_start3A_317, %dma_start3A_318] : memref<2x4x64x128xf32, #tpu.memory_space<vmem>> -> memref<1x4x64x128xf32, #tpu.memory_space<vmem>>
        %dma_start3A_320 = tpu.memref_squeeze %dma_start3A_319 : memref<1x4x64x128xf32, #tpu.memory_space<vmem>> -> memref<4x64x128xf32, #tpu.memory_space<vmem>>
        %dma_start3A_321 = arith.constant 0 : i32
        %dma_start3A_322 = tpu.memref_slice %arg2[%dma_start3A_321, %mul3A_11, %add3A_306] : memref<4x1024x8192xf32, #tpu.memory_space<hbm>> -> memref<4x64x128xf32, #tpu.memory_space<hbm>>
        tpu.enqueue_dma source(%dma_start3A_322 : memref<4x64x128xf32, #tpu.memory_space<hbm>>) target(%dma_start3A_320 : memref<4x64x128xf32, #tpu.memory_space<vmem>>) target_semaphore(%dma_start3A_315 : memref<!tpu.dma_semaphore, #tpu.memory_space<semaphore_mem>>)
      } else {
      }
      %mul3A_166 = arith.constant 128 : i32
      %mul3A_167 = arith.muli %scan3A_138, %mul3A_166 : i32
      %add3A_168 = arith.addi %mul3A_78, %mul3A_167 : i32
      %jit3A_169 = arith.constant 2 : i32
      %eq3A_170 = arith.constant 0 : i32
      %eq3A_171 = arith.cmpi eq, %jit3A_169, %eq3A_170 : i32
      %jit3A_172 = arith.constant 1 : i32
      %select_n3A_173 = arith.select %eq3A_171, %jit3A_172, %jit3A_169 : i32
      %rem3A_174 = arith.remsi %scan3A_138, %select_n3A_173 : i32
      %ne3A_175 = arith.constant 0 : i32
      %ne3A_176 = arith.cmpi ne, %rem3A_174, %ne3A_175 : i32
      %lt3A_177 = arith.constant 0 : i32
      %lt3A_178 = arith.cmpi slt, %rem3A_174, %lt3A_177 : i32
      %lt3A_179 = arith.constant 0 : i32
      %lt3A_180 = arith.cmpi slt, %select_n3A_173, %lt3A_179 : i32
      %ne3A_181 = arith.xori %lt3A_178, %lt3A_180 : i1
      %and3A_182 = arith.andi %ne3A_181, %ne3A_176 : i1
      %add3A_183 = arith.addi %rem3A_174, %select_n3A_173 : i32
      %select_n3A_184 = arith.select %and3A_182, %add3A_183, %rem3A_174 : i32
      %jit3A_185 = arith.constant 2 : i32
      %eq3A_186 = arith.constant 0 : i32
      %eq3A_187 = arith.cmpi eq, %jit3A_185, %eq3A_186 : i32
      %jit3A_188 = arith.constant 1 : i32
      %select_n3A_189 = arith.select %eq3A_187, %jit3A_188, %jit3A_185 : i32
      %rem3A_190 = arith.remsi %scan3A_138, %select_n3A_189 : i32
      %ne3A_191 = arith.constant 0 : i32
      %ne3A_192 = arith.cmpi ne, %rem3A_190, %ne3A_191 : i32
      %lt3A_193 = arith.constant 0 : i32
      %lt3A_194 = arith.cmpi slt, %rem3A_190, %lt3A_193 : i32
      %lt3A_195 = arith.constant 0 : i32
      %lt3A_196 = arith.cmpi slt, %select_n3A_189, %lt3A_195 : i32
      %ne3A_197 = arith.xori %lt3A_194, %lt3A_196 : i1
      %and3A_198 = arith.andi %ne3A_197, %ne3A_192 : i1
      %add3A_199 = arith.addi %rem3A_190, %select_n3A_189 : i32
      %select_n3A_200 = arith.select %and3A_198, %add3A_199, %rem3A_190 : i32
      %dma_wait3A_201 = arith.constant 0 : i32
      %dma_wait3A_202 = arith.constant 0 : i32
      %dma_wait3A_203 = tpu.memref_slice %arg6[%select_n3A_184, %dma_wait3A_201, %dma_wait3A_202] : memref<2x128x128xf32, #tpu.memory_space<vmem>> -> memref<1x128x128xf32, #tpu.memory_space<vmem>>
      %dma_wait3A_204 = tpu.memref_squeeze %dma_wait3A_203 : memref<1x128x128xf32, #tpu.memory_space<vmem>> -> memref<128x128xf32, #tpu.memory_space<vmem>>
      %dma_wait3A_205 = tpu.memref_slice %arg3[%add3A_168, %mul3A_34] : memref<10000x1024xf32, #tpu.memory_space<hbm>> -> memref<128x128xf32, #tpu.memory_space<hbm>>
      %dma_wait3A_206 = tpu.memref_slice %arg8[%select_n3A_200] : memref<2x!tpu.dma_semaphore, #tpu.memory_space<semaphore_mem>> -> memref<1x!tpu.dma_semaphore, #tpu.memory_space<semaphore_mem>>
      %dma_wait3A_207 = tpu.memref_squeeze %dma_wait3A_206 : memref<1x!tpu.dma_semaphore, #tpu.memory_space<semaphore_mem>> -> memref<!tpu.dma_semaphore, #tpu.memory_space<semaphore_mem>>
      %dma_wait3A_208 = arith.constant 0 : i32
      %dma_wait3A_209 = arith.constant 0 : i32
      %dma_wait3A_210 = tpu.memref_slice %arg6[%select_n3A_184, %dma_wait3A_208, %dma_wait3A_209] : memref<2x128x128xf32, #tpu.memory_space<vmem>> -> memref<1x128x128xf32, #tpu.memory_space<vmem>>
      %dma_wait3A_211 = tpu.memref_squeeze %dma_wait3A_210 : memref<1x128x128xf32, #tpu.memory_space<vmem>> -> memref<128x128xf32, #tpu.memory_space<vmem>>
      %dma_wait3A_212 = tpu.memref_slice %arg3[%add3A_168, %mul3A_34] : memref<10000x1024xf32, #tpu.memory_space<hbm>> -> memref<128x128xf32, #tpu.memory_space<hbm>>
      tpu.wait_dma2 semaphore(%dma_wait3A_207 : memref<!tpu.dma_semaphore, #tpu.memory_space<semaphore_mem>>) src(%dma_wait3A_212 : memref<128x128xf32, #tpu.memory_space<hbm>>) dst(%dma_wait3A_211 : memref<128x128xf32, #tpu.memory_space<vmem>>)
      %mul3A_213 = arith.constant 128 : i32
      %mul3A_214 = arith.muli %scan3A_138, %mul3A_213 : i32
      %add3A_215 = arith.addi %mul3A_78, %mul3A_214 : i32
      %dma_wait3A_216 = arith.constant 0 : i32
      %dma_wait3A_217 = arith.constant 0 : i32
      %dma_wait3A_218 = arith.constant 0 : i32
      %dma_wait3A_219 = tpu.memref_slice %arg5[%select_n3A_154, %dma_wait3A_216, %dma_wait3A_217, %dma_wait3A_218] : memref<2x4x64x128xf32, #tpu.memory_space<vmem>> -> memref<1x4x64x128xf32, #tpu.memory_space<vmem>>
      %dma_wait3A_220 = tpu.memref_squeeze %dma_wait3A_219 : memref<1x4x64x128xf32, #tpu.memory_space<vmem>> -> memref<4x64x128xf32, #tpu.memory_space<vmem>>
      %dma_wait3A_221 = arith.constant 0 : i32
      %dma_wait3A_222 = tpu.memref_slice %arg2[%dma_wait3A_221, %mul3A_11, %add3A_215] : memref<4x1024x8192xf32, #tpu.memory_space<hbm>> -> memref<4x64x128xf32, #tpu.memory_space<hbm>>
      %dma_wait3A_223 = tpu.memref_slice %arg7[%select_n3A_154] : memref<2x!tpu.dma_semaphore, #tpu.memory_space<semaphore_mem>> -> memref<1x!tpu.dma_semaphore, #tpu.memory_space<semaphore_mem>>
      %dma_wait3A_224 = tpu.memref_squeeze %dma_wait3A_223 : memref<1x!tpu.dma_semaphore, #tpu.memory_space<semaphore_mem>> -> memref<!tpu.dma_semaphore, #tpu.memory_space<semaphore_mem>>
      %dma_wait3A_225 = arith.constant 0 : i32
      %dma_wait3A_226 = arith.constant 0 : i32
      %dma_wait3A_227 = arith.constant 0 : i32
      %dma_wait3A_228 = tpu.memref_slice %arg5[%select_n3A_154, %dma_wait3A_225, %dma_wait3A_226, %dma_wait3A_227] : memref<2x4x64x128xf32, #tpu.memory_space<vmem>> -> memref<1x4x64x128xf32, #tpu.memory_space<vmem>>
      %dma_wait3A_229 = tpu.memref_squeeze %dma_wait3A_228 : memref<1x4x64x128xf32, #tpu.memory_space<vmem>> -> memref<4x64x128xf32, #tpu.memory_space<vmem>>
      %dma_wait3A_230 = arith.constant 0 : i32
      %dma_wait3A_231 = tpu.memref_slice %arg2[%dma_wait3A_230, %mul3A_11, %add3A_215] : memref<4x1024x8192xf32, #tpu.memory_space<hbm>> -> memref<4x64x128xf32, #tpu.memory_space<hbm>>
      tpu.wait_dma2 semaphore(%dma_wait3A_224 : memref<!tpu.dma_semaphore, #tpu.memory_space<semaphore_mem>>) src(%dma_wait3A_231 : memref<4x64x128xf32, #tpu.memory_space<hbm>>) dst(%dma_wait3A_229 : memref<4x64x128xf32, #tpu.memory_space<vmem>>)
      %parallel_loop3A = arith.constant 0 : i32
      %parallel_loop3A_232 = arith.constant 64 : i32
      %parallel_loop3A_233 = arith.constant 1 : i32
      scf.for %parallel_loop3A_253 = %parallel_loop3A to %parallel_loop3A_232 step %parallel_loop3A_233  : i32 {
        %parallel_loop3A_254 = arith.constant 0 : i32
        %parallel_loop3A_255 = vector.broadcast %parallel_loop3A_254 : i32 to vector<16xi32>
        %parallel_loop3A_256 = arith.addi %mul3A_52, %parallel_loop3A_253 : i32
        %parallel_loop3A_257 = vector.broadcast %parallel_loop3A_256 : i32 to vector<16xi32>
        %parallel_loop3A_258 = arith.addi %parallel_loop3A_255, %parallel_loop3A_257 : vector<16xi32>
        %parallel_loop3A_259 = arith.constant 0 : i32
        %parallel_loop3A_260 = vector.broadcast %parallel_loop3A_259 : i32 to vector<16xi32>
        %parallel_loop3A_261 = arith.addi %parallel_loop3A_260, %iota3A : vector<16xi32>
        %parallel_loop3A_262 = arith.constant 0 : i32
        %parallel_loop3A_263 = arith.constant 0 : i32
        %parallel_loop3A_264 = tpu.memref_slice %arg6[%select_n3A_154, %parallel_loop3A_262, %parallel_loop3A_263] : memref<2x128x128xf32, #tpu.memory_space<vmem>> -> memref<1x128x128xf32, #tpu.memory_space<vmem>>
        %parallel_loop3A_265 = tpu.memref_squeeze %parallel_loop3A_264 : memref<1x128x128xf32, #tpu.memory_space<vmem>> -> memref<128x128xf32, #tpu.memory_space<vmem>>
        %parallel_loop3A_266 = tpu.vector_load_idx %parallel_loop3A_265[%parallel_loop3A_261, %parallel_loop3A_258] : memref<128x128xf32, #tpu.memory_space<vmem>>[vector<16xi32>, vector<16xi32>], vector<16xf32>,
        %parallel_loop3A_267 = arith.constant 16 : i32
        %parallel_loop3A_268 = vector.broadcast %parallel_loop3A_267 : i32 to vector<16xi32>
        %parallel_loop3A_269 = arith.addi %parallel_loop3A_268, %iota3A : vector<16xi32>
        %parallel_loop3A_270 = arith.constant 0 : i32
        %parallel_loop3A_271 = arith.constant 0 : i32
        %parallel_loop3A_272 = tpu.memref_slice %arg6[%select_n3A_154, %parallel_loop3A_270, %parallel_loop3A_271] : memref<2x128x128xf32, #tpu.memory_space<vmem>> -> memref<1x128x128xf32, #tpu.memory_space<vmem>>
        %parallel_loop3A_273 = tpu.memref_squeeze %parallel_loop3A_272 : memref<1x128x128xf32, #tpu.memory_space<vmem>> -> memref<128x128xf32, #tpu.memory_space<vmem>>
        %parallel_loop3A_274 = tpu.vector_load_idx %parallel_loop3A_273[%parallel_loop3A_269, %parallel_loop3A_258] : memref<128x128xf32, #tpu.memory_space<vmem>>[vector<16xi32>, vector<16xi32>], vector<16xf32>,
        %parallel_loop3A_275 = arith.constant 32 : i32
        %parallel_loop3A_276 = vector.broadcast %parallel_loop3A_275 : i32 to vector<16xi32>
        %parallel_loop3A_277 = arith.addi %parallel_loop3A_276, %iota3A : vector<16xi32>
        %parallel_loop3A_278 = arith.constant 0 : i32
        %parallel_loop3A_279 = arith.constant 0 : i32
        %parallel_loop3A_280 = tpu.memref_slice %arg6[%select_n3A_154, %parallel_loop3A_278, %parallel_loop3A_279] : memref<2x128x128xf32, #tpu.memory_space<vmem>> -> memref<1x128x128xf32, #tpu.memory_space<vmem>>
        %parallel_loop3A_281 = tpu.memref_squeeze %parallel_loop3A_280 : memref<1x128x128xf32, #tpu.memory_space<vmem>> -> memref<128x128xf32, #tpu.memory_space<vmem>>
        %parallel_loop3A_282 = tpu.vector_load_idx %parallel_loop3A_281[%parallel_loop3A_277, %parallel_loop3A_258] : memref<128x128xf32, #tpu.memory_space<vmem>>[vector<16xi32>, vector<16xi32>], vector<16xf32>,
        %parallel_loop3A_283 = arith.constant 48 : i32
        %parallel_loop3A_284 = vector.broadcast %parallel_loop3A_283 : i32 to vector<16xi32>
        %parallel_loop3A_285 = arith.addi %parallel_loop3A_284, %iota3A : vector<16xi32>
        %parallel_loop3A_286 = arith.constant 0 : i32
        %parallel_loop3A_287 = arith.constant 0 : i32
        %parallel_loop3A_288 = tpu.memref_slice %arg6[%select_n3A_154, %parallel_loop3A_286, %parallel_loop3A_287] : memref<2x128x128xf32, #tpu.memory_space<vmem>> -> memref<1x128x128xf32, #tpu.memory_space<vmem>>
        %parallel_loop3A_289 = tpu.memref_squeeze %parallel_loop3A_288 : memref<1x128x128xf32, #tpu.memory_space<vmem>> -> memref<128x128xf32, #tpu.memory_space<vmem>>
        %parallel_loop3A_290 = tpu.vector_load_idx %parallel_loop3A_289[%parallel_loop3A_285, %parallel_loop3A_258] : memref<128x128xf32, #tpu.memory_space<vmem>>[vector<16xi32>, vector<16xi32>], vector<16xf32>,
        %parallel_loop3A_291 = arith.constant 64 : i32
        %parallel_loop3A_292 = vector.broadcast %parallel_loop3A_291 : i32 to vector<16xi32>
        %parallel_loop3A_293 = arith.addi %parallel_loop3A_292, %iota3A : vector<16xi32>
        %parallel_loop3A_294 = arith.constant 0 : i32
        %parallel_loop3A_295 = arith.constant 0 : i32
        %parallel_loop3A_296 = tpu.memref_slice %arg6[%select_n3A_154, %parallel_loop3A_294, %parallel_loop3A_295] : memref<2x128x128xf32, #tpu.memory_space<vmem>> -> memref<1x128x128xf32, #tpu.memory_space<vmem>>
        %parallel_loop3A_297 = tpu.memref_squeeze %parallel_loop3A_296 : memref<1x128x128xf32, #tpu.memory_space<vmem>> -> memref<128x128xf32, #tpu.memory_space<vmem>>
        %parallel_loop3A_298 = tpu.vector_load_idx %parallel_loop3A_297[%parallel_loop3A_293, %parallel_loop3A_258] : memref<128x128xf32, #tpu.memory_space<vmem>>[vector<16xi32>, vector<16xi32>], vector<16xf32>,
        %parallel_loop3A_299 = arith.constant 80 : i32
        %parallel_loop3A_300 = vector.broadcast %parallel_loop3A_299 : i32 to vector<16xi32>
        %parallel_loop3A_301 = arith.addi %parallel_loop3A_300, %iota3A : vector<16xi32>
        %parallel_loop3A_302 = arith.constant 0 : i32
        %parallel_loop3A_303 = arith.constant 0 : i32
        %parallel_loop3A_304 = tpu.memref_slice %arg6[%select_n3A_154, %parallel_loop3A_302, %parallel_loop3A_303] : memref<2x128x128xf32, #tpu.memory_space<vmem>> -> memref<1x128x128xf32, #tpu.memory_space<vmem>>
        %parallel_loop3A_305 = tpu.memref_squeeze %parallel_loop3A_304 : memref<1x128x128xf32, #tpu.memory_space<vmem>> -> memref<128x128xf32, #tpu.memory_space<vmem>>
        %parallel_loop3A_306 = tpu.vector_load_idx %parallel_loop3A_305[%parallel_loop3A_301, %parallel_loop3A_258] : memref<128x128xf32, #tpu.memory_space<vmem>>[vector<16xi32>, vector<16xi32>], vector<16xf32>,
        %parallel_loop3A_307 = arith.constant 96 : i32
        %parallel_loop3A_308 = vector.broadcast %parallel_loop3A_307 : i32 to vector<16xi32>
        %parallel_loop3A_309 = arith.addi %parallel_loop3A_308, %iota3A : vector<16xi32>
        %parallel_loop3A_310 = arith.constant 0 : i32
        %parallel_loop3A_311 = arith.constant 0 : i32
        %parallel_loop3A_312 = tpu.memref_slice %arg6[%select_n3A_154, %parallel_loop3A_310, %parallel_loop3A_311] : memref<2x128x128xf32, #tpu.memory_space<vmem>> -> memref<1x128x128xf32, #tpu.memory_space<vmem>>
        %parallel_loop3A_313 = tpu.memref_squeeze %parallel_loop3A_312 : memref<1x128x128xf32, #tpu.memory_space<vmem>> -> memref<128x128xf32, #tpu.memory_space<vmem>>
        %parallel_loop3A_314 = tpu.vector_load_idx %parallel_loop3A_313[%parallel_loop3A_309, %parallel_loop3A_258] : memref<128x128xf32, #tpu.memory_space<vmem>>[vector<16xi32>, vector<16xi32>], vector<16xf32>,
        %parallel_loop3A_315 = arith.constant 112 : i32
        %parallel_loop3A_316 = vector.broadcast %parallel_loop3A_315 : i32 to vector<16xi32>
        %parallel_loop3A_317 = arith.addi %parallel_loop3A_316, %iota3A : vector<16xi32>
        %parallel_loop3A_318 = arith.constant 0 : i32
        %parallel_loop3A_319 = arith.constant 0 : i32
        %parallel_loop3A_320 = tpu.memref_slice %arg6[%select_n3A_154, %parallel_loop3A_318, %parallel_loop3A_319] : memref<2x128x128xf32, #tpu.memory_space<vmem>> -> memref<1x128x128xf32, #tpu.memory_space<vmem>>
        %parallel_loop3A_321 = tpu.memref_squeeze %parallel_loop3A_320 : memref<1x128x128xf32, #tpu.memory_space<vmem>> -> memref<128x128xf32, #tpu.memory_space<vmem>>
        %parallel_loop3A_322 = tpu.vector_load_idx %parallel_loop3A_321[%parallel_loop3A_317, %parallel_loop3A_258] : memref<128x128xf32, #tpu.memory_space<vmem>>[vector<16xi32>, vector<16xi32>], vector<16xf32>,
        %parallel_loop3A_323 = arith.constant 0 : i32
        %parallel_loop3A_324 = arith.index_cast %select_n3A_154 : i32 to index
        %parallel_loop3A_325 = arith.index_cast %parallel_loop3A_323 : i32 to index
        %parallel_loop3A_326 = arith.index_cast %parallel_loop3A_253 : i32 to index
        %parallel_loop3A_327 = arith.constant 0 : index
        %parallel_loop3A_328 = tpu.vector_load %arg5[%parallel_loop3A_324, %parallel_loop3A_325, %parallel_loop3A_326, %parallel_loop3A_327] {strides = array<i32>} : memref<2x4x64x128xf32, #tpu.memory_space<vmem>>, vector<16xf32>,
        tpu.vector_store %arg5[%parallel_loop3A_324, %parallel_loop3A_325, %parallel_loop3A_326, %parallel_loop3A_327], %parallel_loop3A_266 {add = true, strides = array<i32>} : memref<2x4x64x128xf32, #tpu.memory_space<vmem>>, vector<16xf32>,
        %parallel_loop3A_329 = arith.constant 0 : i32
        %parallel_loop3A_330 = arith.index_cast %select_n3A_154 : i32 to index
        %parallel_loop3A_331 = arith.index_cast %parallel_loop3A_329 : i32 to index
        %parallel_loop3A_332 = arith.index_cast %parallel_loop3A_253 : i32 to index
        %parallel_loop3A_333 = arith.constant 16 : index
        %parallel_loop3A_334 = tpu.vector_load %arg5[%parallel_loop3A_330, %parallel_loop3A_331, %parallel_loop3A_332, %parallel_loop3A_333] {strides = array<i32>} : memref<2x4x64x128xf32, #tpu.memory_space<vmem>>, vector<16xf32>,
        tpu.vector_store %arg5[%parallel_loop3A_330, %parallel_loop3A_331, %parallel_loop3A_332, %parallel_loop3A_333], %parallel_loop3A_274 {add = true, strides = array<i32>} : memref<2x4x64x128xf32, #tpu.memory_space<vmem>>, vector<16xf32>,
        %parallel_loop3A_335 = arith.constant 0 : i32
        %parallel_loop3A_336 = arith.index_cast %select_n3A_154 : i32 to index
        %parallel_loop3A_337 = arith.index_cast %parallel_loop3A_335 : i32 to index
        %parallel_loop3A_338 = arith.index_cast %parallel_loop3A_253 : i32 to index
        %parallel_loop3A_339 = arith.constant 32 : index
        %parallel_loop3A_340 = tpu.vector_load %arg5[%parallel_loop3A_336, %parallel_loop3A_337, %parallel_loop3A_338, %parallel_loop3A_339] {strides = array<i32>} : memref<2x4x64x128xf32, #tpu.memory_space<vmem>>, vector<16xf32>,
        tpu.vector_store %arg5[%parallel_loop3A_336, %parallel_loop3A_337, %parallel_loop3A_338, %parallel_loop3A_339], %parallel_loop3A_282 {add = true, strides = array<i32>} : memref<2x4x64x128xf32, #tpu.memory_space<vmem>>, vector<16xf32>,
        %parallel_loop3A_341 = arith.constant 0 : i32
        %parallel_loop3A_342 = arith.index_cast %select_n3A_154 : i32 to index
        %parallel_loop3A_343 = arith.index_cast %parallel_loop3A_341 : i32 to index
        %parallel_loop3A_344 = arith.index_cast %parallel_loop3A_253 : i32 to index
        %parallel_loop3A_345 = arith.constant 48 : index
        %parallel_loop3A_346 = tpu.vector_load %arg5[%parallel_loop3A_342, %parallel_loop3A_343, %parallel_loop3A_344, %parallel_loop3A_345] {strides = array<i32>} : memref<2x4x64x128xf32, #tpu.memory_space<vmem>>, vector<16xf32>,
        tpu.vector_store %arg5[%parallel_loop3A_342, %parallel_loop3A_343, %parallel_loop3A_344, %parallel_loop3A_345], %parallel_loop3A_290 {add = true, strides = array<i32>} : memref<2x4x64x128xf32, #tpu.memory_space<vmem>>, vector<16xf32>,
        %parallel_loop3A_347 = arith.constant 0 : i32
        %parallel_loop3A_348 = arith.index_cast %select_n3A_154 : i32 to index
        %parallel_loop3A_349 = arith.index_cast %parallel_loop3A_347 : i32 to index
        %parallel_loop3A_350 = arith.index_cast %parallel_loop3A_253 : i32 to index
        %parallel_loop3A_351 = arith.constant 64 : index
        %parallel_loop3A_352 = tpu.vector_load %arg5[%parallel_loop3A_348, %parallel_loop3A_349, %parallel_loop3A_350, %parallel_loop3A_351] {strides = array<i32>} : memref<2x4x64x128xf32, #tpu.memory_space<vmem>>, vector<16xf32>,
        tpu.vector_store %arg5[%parallel_loop3A_348, %parallel_loop3A_349, %parallel_loop3A_350, %parallel_loop3A_351], %parallel_loop3A_298 {add = true, strides = array<i32>} : memref<2x4x64x128xf32, #tpu.memory_space<vmem>>, vector<16xf32>,
        %parallel_loop3A_353 = arith.constant 0 : i32
        %parallel_loop3A_354 = arith.index_cast %select_n3A_154 : i32 to index
        %parallel_loop3A_355 = arith.index_cast %parallel_loop3A_353 : i32 to index
        %parallel_loop3A_356 = arith.index_cast %parallel_loop3A_253 : i32 to index
        %parallel_loop3A_357 = arith.constant 80 : index
        %parallel_loop3A_358 = tpu.vector_load %arg5[%parallel_loop3A_354, %parallel_loop3A_355, %parallel_loop3A_356, %parallel_loop3A_357] {strides = array<i32>} : memref<2x4x64x128xf32, #tpu.memory_space<vmem>>, vector<16xf32>,
        tpu.vector_store %arg5[%parallel_loop3A_354, %parallel_loop3A_355, %parallel_loop3A_356, %parallel_loop3A_357], %parallel_loop3A_306 {add = true, strides = array<i32>} : memref<2x4x64x128xf32, #tpu.memory_space<vmem>>, vector<16xf32>,
        %parallel_loop3A_359 = arith.constant 0 : i32
        %parallel_loop3A_360 = arith.index_cast %select_n3A_154 : i32 to index
        %parallel_loop3A_361 = arith.index_cast %parallel_loop3A_359 : i32 to index
        %parallel_loop3A_362 = arith.index_cast %parallel_loop3A_253 : i32 to index
        %parallel_loop3A_363 = arith.constant 96 : index
        %parallel_loop3A_364 = tpu.vector_load %arg5[%parallel_loop3A_360, %parallel_loop3A_361, %parallel_loop3A_362, %parallel_loop3A_363] {strides = array<i32>} : memref<2x4x64x128xf32, #tpu.memory_space<vmem>>, vector<16xf32>,
        tpu.vector_store %arg5[%parallel_loop3A_360, %parallel_loop3A_361, %parallel_loop3A_362, %parallel_loop3A_363], %parallel_loop3A_314 {add = true, strides = array<i32>} : memref<2x4x64x128xf32, #tpu.memory_space<vmem>>, vector<16xf32>,
        %parallel_loop3A_365 = arith.constant 0 : i32
        %parallel_loop3A_366 = arith.index_cast %select_n3A_154 : i32 to index
        %parallel_loop3A_367 = arith.index_cast %parallel_loop3A_365 : i32 to index
        %parallel_loop3A_368 = arith.index_cast %parallel_loop3A_253 : i32 to index
        %parallel_loop3A_369 = arith.constant 112 : index
        %parallel_loop3A_370 = tpu.vector_load %arg5[%parallel_loop3A_366, %parallel_loop3A_367, %parallel_loop3A_368, %parallel_loop3A_369] {strides = array<i32>} : memref<2x4x64x128xf32, #tpu.memory_space<vmem>>, vector<16xf32>,
        tpu.vector_store %arg5[%parallel_loop3A_366, %parallel_loop3A_367, %parallel_loop3A_368, %parallel_loop3A_369], %parallel_loop3A_322 {add = true, strides = array<i32>} : memref<2x4x64x128xf32, #tpu.memory_space<vmem>>, vector<16xf32>,
        %parallel_loop3A_371 = arith.constant 1 : i32
        %parallel_loop3A_372 = arith.index_cast %select_n3A_154 : i32 to index
        %parallel_loop3A_373 = arith.index_cast %parallel_loop3A_371 : i32 to index
        %parallel_loop3A_374 = arith.index_cast %parallel_loop3A_253 : i32 to index
        %parallel_loop3A_375 = arith.constant 0 : index
        %parallel_loop3A_376 = tpu.vector_load %arg5[%parallel_loop3A_372, %parallel_loop3A_373, %parallel_loop3A_374, %parallel_loop3A_375] {strides = array<i32>} : memref<2x4x64x128xf32, #tpu.memory_space<vmem>>, vector<16xf32>,
        tpu.vector_store %arg5[%parallel_loop3A_372, %parallel_loop3A_373, %parallel_loop3A_374, %parallel_loop3A_375], %parallel_loop3A_266 {add = true, strides = array<i32>} : memref<2x4x64x128xf32, #tpu.memory_space<vmem>>, vector<16xf32>,
        %parallel_loop3A_377 = arith.constant 1 : i32
        %parallel_loop3A_378 = arith.index_cast %select_n3A_154 : i32 to index
        %parallel_loop3A_379 = arith.index_cast %parallel_loop3A_377 : i32 to index
        %parallel_loop3A_380 = arith.index_cast %parallel_loop3A_253 : i32 to index
        %parallel_loop3A_381 = arith.constant 16 : index
        %parallel_loop3A_382 = tpu.vector_load %arg5[%parallel_loop3A_378, %parallel_loop3A_379, %parallel_loop3A_380, %parallel_loop3A_381] {strides = array<i32>} : memref<2x4x64x128xf32, #tpu.memory_space<vmem>>, vector<16xf32>,
        tpu.vector_store %arg5[%parallel_loop3A_378, %parallel_loop3A_379, %parallel_loop3A_380, %parallel_loop3A_381], %parallel_loop3A_274 {add = true, strides = array<i32>} : memref<2x4x64x128xf32, #tpu.memory_space<vmem>>, vector<16xf32>,
        %parallel_loop3A_383 = arith.constant 1 : i32
        %parallel_loop3A_384 = arith.index_cast %select_n3A_154 : i32 to index
        %parallel_loop3A_385 = arith.index_cast %parallel_loop3A_383 : i32 to index
        %parallel_loop3A_386 = arith.index_cast %parallel_loop3A_253 : i32 to index
        %parallel_loop3A_387 = arith.constant 32 : index
        %parallel_loop3A_388 = tpu.vector_load %arg5[%parallel_loop3A_384, %parallel_loop3A_385, %parallel_loop3A_386, %parallel_loop3A_387] {strides = array<i32>} : memref<2x4x64x128xf32, #tpu.memory_space<vmem>>, vector<16xf32>,
        tpu.vector_store %arg5[%parallel_loop3A_384, %parallel_loop3A_385, %parallel_loop3A_386, %parallel_loop3A_387], %parallel_loop3A_282 {add = true, strides = array<i32>} : memref<2x4x64x128xf32, #tpu.memory_space<vmem>>, vector<16xf32>,
        %parallel_loop3A_389 = arith.constant 1 : i32
        %parallel_loop3A_390 = arith.index_cast %select_n3A_154 : i32 to index
        %parallel_loop3A_391 = arith.index_cast %parallel_loop3A_389 : i32 to index
        %parallel_loop3A_392 = arith.index_cast %parallel_loop3A_253 : i32 to index
        %parallel_loop3A_393 = arith.constant 48 : index
        %parallel_loop3A_394 = tpu.vector_load %arg5[%parallel_loop3A_390, %parallel_loop3A_391, %parallel_loop3A_392, %parallel_loop3A_393] {strides = array<i32>} : memref<2x4x64x128xf32, #tpu.memory_space<vmem>>, vector<16xf32>,
        tpu.vector_store %arg5[%parallel_loop3A_390, %parallel_loop3A_391, %parallel_loop3A_392, %parallel_loop3A_393], %parallel_loop3A_290 {add = true, strides = array<i32>} : memref<2x4x64x128xf32, #tpu.memory_space<vmem>>, vector<16xf32>,
        %parallel_loop3A_395 = arith.constant 1 : i32
        %parallel_loop3A_396 = arith.index_cast %select_n3A_154 : i32 to index
        %parallel_loop3A_397 = arith.index_cast %parallel_loop3A_395 : i32 to index
        %parallel_loop3A_398 = arith.index_cast %parallel_loop3A_253 : i32 to index
        %parallel_loop3A_399 = arith.constant 64 : index
        %parallel_loop3A_400 = tpu.vector_load %arg5[%parallel_loop3A_396, %parallel_loop3A_397, %parallel_loop3A_398, %parallel_loop3A_399] {strides = array<i32>} : memref<2x4x64x128xf32, #tpu.memory_space<vmem>>, vector<16xf32>,
        tpu.vector_store %arg5[%parallel_loop3A_396, %parallel_loop3A_397, %parallel_loop3A_398, %parallel_loop3A_399], %parallel_loop3A_298 {add = true, strides = array<i32>} : memref<2x4x64x128xf32, #tpu.memory_space<vmem>>, vector<16xf32>,
        %parallel_loop3A_401 = arith.constant 1 : i32
        %parallel_loop3A_402 = arith.index_cast %select_n3A_154 : i32 to index
        %parallel_loop3A_403 = arith.index_cast %parallel_loop3A_401 : i32 to index
        %parallel_loop3A_404 = arith.index_cast %parallel_loop3A_253 : i32 to index
        %parallel_loop3A_405 = arith.constant 80 : index
        %parallel_loop3A_406 = tpu.vector_load %arg5[%parallel_loop3A_402, %parallel_loop3A_403, %parallel_loop3A_404, %parallel_loop3A_405] {strides = array<i32>} : memref<2x4x64x128xf32, #tpu.memory_space<vmem>>, vector<16xf32>,
        tpu.vector_store %arg5[%parallel_loop3A_402, %parallel_loop3A_403, %parallel_loop3A_404, %parallel_loop3A_405], %parallel_loop3A_306 {add = true, strides = array<i32>} : memref<2x4x64x128xf32, #tpu.memory_space<vmem>>, vector<16xf32>,
        %parallel_loop3A_407 = arith.constant 1 : i32
        %parallel_loop3A_408 = arith.index_cast %select_n3A_154 : i32 to index
        %parallel_loop3A_409 = arith.index_cast %parallel_loop3A_407 : i32 to index
        %parallel_loop3A_410 = arith.index_cast %parallel_loop3A_253 : i32 to index
        %parallel_loop3A_411 = arith.constant 96 : index
        %parallel_loop3A_412 = tpu.vector_load %arg5[%parallel_loop3A_408, %parallel_loop3A_409, %parallel_loop3A_410, %parallel_loop3A_411] {strides = array<i32>} : memref<2x4x64x128xf32, #tpu.memory_space<vmem>>, vector<16xf32>,
        tpu.vector_store %arg5[%parallel_loop3A_408, %parallel_loop3A_409, %parallel_loop3A_410, %parallel_loop3A_411], %parallel_loop3A_314 {add = true, strides = array<i32>} : memref<2x4x64x128xf32, #tpu.memory_space<vmem>>, vector<16xf32>,
        %parallel_loop3A_413 = arith.constant 1 : i32
        %parallel_loop3A_414 = arith.index_cast %select_n3A_154 : i32 to index
        %parallel_loop3A_415 = arith.index_cast %parallel_loop3A_413 : i32 to index
        %parallel_loop3A_416 = arith.index_cast %parallel_loop3A_253 : i32 to index
        %parallel_loop3A_417 = arith.constant 112 : index
        %parallel_loop3A_418 = tpu.vector_load %arg5[%parallel_loop3A_414, %parallel_loop3A_415, %parallel_loop3A_416, %parallel_loop3A_417] {strides = array<i32>} : memref<2x4x64x128xf32, #tpu.memory_space<vmem>>, vector<16xf32>,
        tpu.vector_store %arg5[%parallel_loop3A_414, %parallel_loop3A_415, %parallel_loop3A_416, %parallel_loop3A_417], %parallel_loop3A_322 {add = true, strides = array<i32>} : memref<2x4x64x128xf32, #tpu.memory_space<vmem>>, vector<16xf32>,
        %parallel_loop3A_419 = arith.constant 2 : i32
        %parallel_loop3A_420 = arith.index_cast %select_n3A_154 : i32 to index
        %parallel_loop3A_421 = arith.index_cast %parallel_loop3A_419 : i32 to index
        %parallel_loop3A_422 = arith.index_cast %parallel_loop3A_253 : i32 to index
        %parallel_loop3A_423 = arith.constant 0 : index
        %parallel_loop3A_424 = tpu.vector_load %arg5[%parallel_loop3A_420, %parallel_loop3A_421, %parallel_loop3A_422, %parallel_loop3A_423] {strides = array<i32>} : memref<2x4x64x128xf32, #tpu.memory_space<vmem>>, vector<16xf32>,
        tpu.vector_store %arg5[%parallel_loop3A_420, %parallel_loop3A_421, %parallel_loop3A_422, %parallel_loop3A_423], %parallel_loop3A_266 {add = true, strides = array<i32>} : memref<2x4x64x128xf32, #tpu.memory_space<vmem>>, vector<16xf32>,
        %parallel_loop3A_425 = arith.constant 2 : i32
        %parallel_loop3A_426 = arith.index_cast %select_n3A_154 : i32 to index
        %parallel_loop3A_427 = arith.index_cast %parallel_loop3A_425 : i32 to index
        %parallel_loop3A_428 = arith.index_cast %parallel_loop3A_253 : i32 to index
        %parallel_loop3A_429 = arith.constant 16 : index
        %parallel_loop3A_430 = tpu.vector_load %arg5[%parallel_loop3A_426, %parallel_loop3A_427, %parallel_loop3A_428, %parallel_loop3A_429] {strides = array<i32>} : memref<2x4x64x128xf32, #tpu.memory_space<vmem>>, vector<16xf32>,
        tpu.vector_store %arg5[%parallel_loop3A_426, %parallel_loop3A_427, %parallel_loop3A_428, %parallel_loop3A_429], %parallel_loop3A_274 {add = true, strides = array<i32>} : memref<2x4x64x128xf32, #tpu.memory_space<vmem>>, vector<16xf32>,
        %parallel_loop3A_431 = arith.constant 2 : i32
        %parallel_loop3A_432 = arith.index_cast %select_n3A_154 : i32 to index
        %parallel_loop3A_433 = arith.index_cast %parallel_loop3A_431 : i32 to index
        %parallel_loop3A_434 = arith.index_cast %parallel_loop3A_253 : i32 to index
        %parallel_loop3A_435 = arith.constant 32 : index
        %parallel_loop3A_436 = tpu.vector_load %arg5[%parallel_loop3A_432, %parallel_loop3A_433, %parallel_loop3A_434, %parallel_loop3A_435] {strides = array<i32>} : memref<2x4x64x128xf32, #tpu.memory_space<vmem>>, vector<16xf32>,
        tpu.vector_store %arg5[%parallel_loop3A_432, %parallel_loop3A_433, %parallel_loop3A_434, %parallel_loop3A_435], %parallel_loop3A_282 {add = true, strides = array<i32>} : memref<2x4x64x128xf32, #tpu.memory_space<vmem>>, vector<16xf32>,
        %parallel_loop3A_437 = arith.constant 2 : i32
        %parallel_loop3A_438 = arith.index_cast %select_n3A_154 : i32 to index
        %parallel_loop3A_439 = arith.index_cast %parallel_loop3A_437 : i32 to index
        %parallel_loop3A_440 = arith.index_cast %parallel_loop3A_253 : i32 to index
        %parallel_loop3A_441 = arith.constant 48 : index
        %parallel_loop3A_442 = tpu.vector_load %arg5[%parallel_loop3A_438, %parallel_loop3A_439, %parallel_loop3A_440, %parallel_loop3A_441] {strides = array<i32>} : memref<2x4x64x128xf32, #tpu.memory_space<vmem>>, vector<16xf32>,
        tpu.vector_store %arg5[%parallel_loop3A_438, %parallel_loop3A_439, %parallel_loop3A_440, %parallel_loop3A_441], %parallel_loop3A_290 {add = true, strides = array<i32>} : memref<2x4x64x128xf32, #tpu.memory_space<vmem>>, vector<16xf32>,
        %parallel_loop3A_443 = arith.constant 2 : i32
        %parallel_loop3A_444 = arith.index_cast %select_n3A_154 : i32 to index
        %parallel_loop3A_445 = arith.index_cast %parallel_loop3A_443 : i32 to index
        %parallel_loop3A_446 = arith.index_cast %parallel_loop3A_253 : i32 to index
        %parallel_loop3A_447 = arith.constant 64 : index
        %parallel_loop3A_448 = tpu.vector_load %arg5[%parallel_loop3A_444, %parallel_loop3A_445, %parallel_loop3A_446, %parallel_loop3A_447] {strides = array<i32>} : memref<2x4x64x128xf32, #tpu.memory_space<vmem>>, vector<16xf32>,
        tpu.vector_store %arg5[%parallel_loop3A_444, %parallel_loop3A_445, %parallel_loop3A_446, %parallel_loop3A_447], %parallel_loop3A_298 {add = true, strides = array<i32>} : memref<2x4x64x128xf32, #tpu.memory_space<vmem>>, vector<16xf32>,
        %parallel_loop3A_449 = arith.constant 2 : i32
        %parallel_loop3A_450 = arith.index_cast %select_n3A_154 : i32 to index
        %parallel_loop3A_451 = arith.index_cast %parallel_loop3A_449 : i32 to index
        %parallel_loop3A_452 = arith.index_cast %parallel_loop3A_253 : i32 to index
        %parallel_loop3A_453 = arith.constant 80 : index
        %parallel_loop3A_454 = tpu.vector_load %arg5[%parallel_loop3A_450, %parallel_loop3A_451, %parallel_loop3A_452, %parallel_loop3A_453] {strides = array<i32>} : memref<2x4x64x128xf32, #tpu.memory_space<vmem>>, vector<16xf32>,
        tpu.vector_store %arg5[%parallel_loop3A_450, %parallel_loop3A_451, %parallel_loop3A_452, %parallel_loop3A_453], %parallel_loop3A_306 {add = true, strides = array<i32>} : memref<2x4x64x128xf32, #tpu.memory_space<vmem>>, vector<16xf32>,
        %parallel_loop3A_455 = arith.constant 2 : i32
        %parallel_loop3A_456 = arith.index_cast %select_n3A_154 : i32 to index
        %parallel_loop3A_457 = arith.index_cast %parallel_loop3A_455 : i32 to index
        %parallel_loop3A_458 = arith.index_cast %parallel_loop3A_253 : i32 to index
        %parallel_loop3A_459 = arith.constant 96 : index
        %parallel_loop3A_460 = tpu.vector_load %arg5[%parallel_loop3A_456, %parallel_loop3A_457, %parallel_loop3A_458, %parallel_loop3A_459] {strides = array<i32>} : memref<2x4x64x128xf32, #tpu.memory_space<vmem>>, vector<16xf32>,
        tpu.vector_store %arg5[%parallel_loop3A_456, %parallel_loop3A_457, %parallel_loop3A_458, %parallel_loop3A_459], %parallel_loop3A_314 {add = true, strides = array<i32>} : memref<2x4x64x128xf32, #tpu.memory_space<vmem>>, vector<16xf32>,
        %parallel_loop3A_461 = arith.constant 2 : i32
        %parallel_loop3A_462 = arith.index_cast %select_n3A_154 : i32 to index
        %parallel_loop3A_463 = arith.index_cast %parallel_loop3A_461 : i32 to index
        %parallel_loop3A_464 = arith.index_cast %parallel_loop3A_253 : i32 to index
        %parallel_loop3A_465 = arith.constant 112 : index
        %parallel_loop3A_466 = tpu.vector_load %arg5[%parallel_loop3A_462, %parallel_loop3A_463, %parallel_loop3A_464, %parallel_loop3A_465] {strides = array<i32>} : memref<2x4x64x128xf32, #tpu.memory_space<vmem>>, vector<16xf32>,
        tpu.vector_store %arg5[%parallel_loop3A_462, %parallel_loop3A_463, %parallel_loop3A_464, %parallel_loop3A_465], %parallel_loop3A_322 {add = true, strides = array<i32>} : memref<2x4x64x128xf32, #tpu.memory_space<vmem>>, vector<16xf32>,
        %parallel_loop3A_467 = arith.constant 3 : i32
        %parallel_loop3A_468 = arith.index_cast %select_n3A_154 : i32 to index
        %parallel_loop3A_469 = arith.index_cast %parallel_loop3A_467 : i32 to index
        %parallel_loop3A_470 = arith.index_cast %parallel_loop3A_253 : i32 to index
        %parallel_loop3A_471 = arith.constant 0 : index
        %parallel_loop3A_472 = tpu.vector_load %arg5[%parallel_loop3A_468, %parallel_loop3A_469, %parallel_loop3A_470, %parallel_loop3A_471] {strides = array<i32>} : memref<2x4x64x128xf32, #tpu.memory_space<vmem>>, vector<16xf32>,
        tpu.vector_store %arg5[%parallel_loop3A_468, %parallel_loop3A_469, %parallel_loop3A_470, %parallel_loop3A_471], %parallel_loop3A_266 {add = true, strides = array<i32>} : memref<2x4x64x128xf32, #tpu.memory_space<vmem>>, vector<16xf32>,
        %parallel_loop3A_473 = arith.constant 3 : i32
        %parallel_loop3A_474 = arith.index_cast %select_n3A_154 : i32 to index
        %parallel_loop3A_475 = arith.index_cast %parallel_loop3A_473 : i32 to index
        %parallel_loop3A_476 = arith.index_cast %parallel_loop3A_253 : i32 to index
        %parallel_loop3A_477 = arith.constant 16 : index
        %parallel_loop3A_478 = tpu.vector_load %arg5[%parallel_loop3A_474, %parallel_loop3A_475, %parallel_loop3A_476, %parallel_loop3A_477] {strides = array<i32>} : memref<2x4x64x128xf32, #tpu.memory_space<vmem>>, vector<16xf32>,
        tpu.vector_store %arg5[%parallel_loop3A_474, %parallel_loop3A_475, %parallel_loop3A_476, %parallel_loop3A_477], %parallel_loop3A_274 {add = true, strides = array<i32>} : memref<2x4x64x128xf32, #tpu.memory_space<vmem>>, vector<16xf32>,
        %parallel_loop3A_479 = arith.constant 3 : i32
        %parallel_loop3A_480 = arith.index_cast %select_n3A_154 : i32 to index
        %parallel_loop3A_481 = arith.index_cast %parallel_loop3A_479 : i32 to index
        %parallel_loop3A_482 = arith.index_cast %parallel_loop3A_253 : i32 to index
        %parallel_loop3A_483 = arith.constant 32 : index
        %parallel_loop3A_484 = tpu.vector_load %arg5[%parallel_loop3A_480, %parallel_loop3A_481, %parallel_loop3A_482, %parallel_loop3A_483] {strides = array<i32>} : memref<2x4x64x128xf32, #tpu.memory_space<vmem>>, vector<16xf32>,
        tpu.vector_store %arg5[%parallel_loop3A_480, %parallel_loop3A_481, %parallel_loop3A_482, %parallel_loop3A_483], %parallel_loop3A_282 {add = true, strides = array<i32>} : memref<2x4x64x128xf32, #tpu.memory_space<vmem>>, vector<16xf32>,
        %parallel_loop3A_485 = arith.constant 3 : i32
        %parallel_loop3A_486 = arith.index_cast %select_n3A_154 : i32 to index
        %parallel_loop3A_487 = arith.index_cast %parallel_loop3A_485 : i32 to index
        %parallel_loop3A_488 = arith.index_cast %parallel_loop3A_253 : i32 to index
        %parallel_loop3A_489 = arith.constant 48 : index
        %parallel_loop3A_490 = tpu.vector_load %arg5[%parallel_loop3A_486, %parallel_loop3A_487, %parallel_loop3A_488, %parallel_loop3A_489] {strides = array<i32>} : memref<2x4x64x128xf32, #tpu.memory_space<vmem>>, vector<16xf32>,
        tpu.vector_store %arg5[%parallel_loop3A_486, %parallel_loop3A_487, %parallel_loop3A_488, %parallel_loop3A_489], %parallel_loop3A_290 {add = true, strides = array<i32>} : memref<2x4x64x128xf32, #tpu.memory_space<vmem>>, vector<16xf32>,
        %parallel_loop3A_491 = arith.constant 3 : i32
        %parallel_loop3A_492 = arith.index_cast %select_n3A_154 : i32 to index
        %parallel_loop3A_493 = arith.index_cast %parallel_loop3A_491 : i32 to index
        %parallel_loop3A_494 = arith.index_cast %parallel_loop3A_253 : i32 to index
        %parallel_loop3A_495 = arith.constant 64 : index
        %parallel_loop3A_496 = tpu.vector_load %arg5[%parallel_loop3A_492, %parallel_loop3A_493, %parallel_loop3A_494, %parallel_loop3A_495] {strides = array<i32>} : memref<2x4x64x128xf32, #tpu.memory_space<vmem>>, vector<16xf32>,
        tpu.vector_store %arg5[%parallel_loop3A_492, %parallel_loop3A_493, %parallel_loop3A_494, %parallel_loop3A_495], %parallel_loop3A_298 {add = true, strides = array<i32>} : memref<2x4x64x128xf32, #tpu.memory_space<vmem>>, vector<16xf32>,
        %parallel_loop3A_497 = arith.constant 3 : i32
        %parallel_loop3A_498 = arith.index_cast %select_n3A_154 : i32 to index
        %parallel_loop3A_499 = arith.index_cast %parallel_loop3A_497 : i32 to index
        %parallel_loop3A_500 = arith.index_cast %parallel_loop3A_253 : i32 to index
        %parallel_loop3A_501 = arith.constant 80 : index
        %parallel_loop3A_502 = tpu.vector_load %arg5[%parallel_loop3A_498, %parallel_loop3A_499, %parallel_loop3A_500, %parallel_loop3A_501] {strides = array<i32>} : memref<2x4x64x128xf32, #tpu.memory_space<vmem>>, vector<16xf32>,
        tpu.vector_store %arg5[%parallel_loop3A_498, %parallel_loop3A_499, %parallel_loop3A_500, %parallel_loop3A_501], %parallel_loop3A_306 {add = true, strides = array<i32>} : memref<2x4x64x128xf32, #tpu.memory_space<vmem>>, vector<16xf32>,
        %parallel_loop3A_503 = arith.constant 3 : i32
        %parallel_loop3A_504 = arith.index_cast %select_n3A_154 : i32 to index
        %parallel_loop3A_505 = arith.index_cast %parallel_loop3A_503 : i32 to index
        %parallel_loop3A_506 = arith.index_cast %parallel_loop3A_253 : i32 to index
        %parallel_loop3A_507 = arith.constant 96 : index
        %parallel_loop3A_508 = tpu.vector_load %arg5[%parallel_loop3A_504, %parallel_loop3A_505, %parallel_loop3A_506, %parallel_loop3A_507] {strides = array<i32>} : memref<2x4x64x128xf32, #tpu.memory_space<vmem>>, vector<16xf32>,
        tpu.vector_store %arg5[%parallel_loop3A_504, %parallel_loop3A_505, %parallel_loop3A_506, %parallel_loop3A_507], %parallel_loop3A_314 {add = true, strides = array<i32>} : memref<2x4x64x128xf32, #tpu.memory_space<vmem>>, vector<16xf32>,
        %parallel_loop3A_509 = arith.constant 3 : i32
        %parallel_loop3A_510 = arith.index_cast %select_n3A_154 : i32 to index
        %parallel_loop3A_511 = arith.index_cast %parallel_loop3A_509 : i32 to index
        %parallel_loop3A_512 = arith.index_cast %parallel_loop3A_253 : i32 to index
        %parallel_loop3A_513 = arith.constant 112 : index
        %parallel_loop3A_514 = tpu.vector_load %arg5[%parallel_loop3A_510, %parallel_loop3A_511, %parallel_loop3A_512, %parallel_loop3A_513] {strides = array<i32>} : memref<2x4x64x128xf32, #tpu.memory_space<vmem>>, vector<16xf32>,
        tpu.vector_store %arg5[%parallel_loop3A_510, %parallel_loop3A_511, %parallel_loop3A_512, %parallel_loop3A_513], %parallel_loop3A_322 {add = true, strides = array<i32>} : memref<2x4x64x128xf32, #tpu.memory_space<vmem>>, vector<16xf32>,
      } {sc.loop_unroll_factor = 2 : i64, sc.parallel_access}
      %mul3A_234 = arith.constant 128 : i32
      %mul3A_235 = arith.muli %scan3A_138, %mul3A_234 : i32
      %add3A_236 = arith.addi %mul3A_78, %mul3A_235 : i32
      %dma_start3A_237 = arith.constant 0 : i32
      %dma_start3A_238 = arith.constant 0 : i32
      %dma_start3A_239 = arith.constant 0 : i32
      %dma_start3A_240 = tpu.memref_slice %arg5[%select_n3A_154, %dma_start3A_237, %dma_start3A_238, %dma_start3A_239] : memref<2x4x64x128xf32, #tpu.memory_space<vmem>> -> memref<1x4x64x128xf32, #tpu.memory_space<vmem>>
      %dma_start3A_241 = tpu.memref_squeeze %dma_start3A_240 : memref<1x4x64x128xf32, #tpu.memory_space<vmem>> -> memref<4x64x128xf32, #tpu.memory_space<vmem>>
      %dma_start3A_242 = arith.constant 0 : i32
      %dma_start3A_243 = tpu.memref_slice %arg4[%dma_start3A_242, %mul3A_11, %add3A_236] : memref<4x1024x8192xf32, #tpu.memory_space<hbm>> -> memref<4x64x128xf32, #tpu.memory_space<hbm>>
      %dma_start3A_244 = tpu.memref_slice %arg9[%select_n3A_154] : memref<2x!tpu.dma_semaphore, #tpu.memory_space<semaphore_mem>> -> memref<1x!tpu.dma_semaphore, #tpu.memory_space<semaphore_mem>>
      %dma_start3A_245 = tpu.memref_squeeze %dma_start3A_244 : memref<1x!tpu.dma_semaphore, #tpu.memory_space<semaphore_mem>> -> memref<!tpu.dma_semaphore, #tpu.memory_space<semaphore_mem>>
      %dma_start3A_246 = arith.constant 0 : i32
      %dma_start3A_247 = tpu.memref_slice %arg4[%dma_start3A_246, %mul3A_11, %add3A_236] : memref<4x1024x8192xf32, #tpu.memory_space<hbm>> -> memref<4x64x128xf32, #tpu.memory_space<hbm>>
      %dma_start3A_248 = arith.constant 0 : i32
      %dma_start3A_249 = arith.constant 0 : i32
      %dma_start3A_250 = arith.constant 0 : i32
      %dma_start3A_251 = tpu.memref_slice %arg5[%select_n3A_154, %dma_start3A_248, %dma_start3A_249, %dma_start3A_250] : memref<2x4x64x128xf32, #tpu.memory_space<vmem>> -> memref<1x4x64x128xf32, #tpu.memory_space<vmem>>
      %dma_start3A_252 = tpu.memref_squeeze %dma_start3A_251 : memref<1x4x64x128xf32, #tpu.memory_space<vmem>> -> memref<4x64x128xf32, #tpu.memory_space<vmem>>
      tpu.enqueue_dma source(%dma_start3A_252 : memref<4x64x128xf32, #tpu.memory_space<vmem>>) target(%dma_start3A_247 : memref<4x64x128xf32, #tpu.memory_space<hbm>>) target_semaphore(%dma_start3A_245 : memref<!tpu.dma_semaphore, #tpu.memory_space<semaphore_mem>>)
    }
    %scan3A_118 = arith.constant 32 : i32
    %add3A_119 = arith.constant 3968 : i32
    %add3A_120 = arith.addi %mul3A_78, %add3A_119 : i32
    %dma_wait3A = arith.constant 1 : i32
    %dma_wait3A_121 = arith.constant 1 : i32
    %dma_wait3A_122 = arith.constant 0 : i32
    %dma_wait3A_123 = arith.constant 0 : i32
    %dma_wait3A_124 = arith.constant 0 : i32
    %dma_wait3A_125 = tpu.memref_slice %arg5[%dma_wait3A, %dma_wait3A_122, %dma_wait3A_123, %dma_wait3A_124] : memref<2x4x64x128xf32, #tpu.memory_space<vmem>> -> memref<1x4x64x128xf32, #tpu.memory_space<vmem>>
    %dma_wait3A_126 = tpu.memref_squeeze %dma_wait3A_125 : memref<1x4x64x128xf32, #tpu.memory_space<vmem>> -> memref<4x64x128xf32, #tpu.memory_space<vmem>>
    %dma_wait3A_127 = arith.constant 0 : i32
    %dma_wait3A_128 = tpu.memref_slice %arg4[%dma_wait3A_127, %mul3A_11, %add3A_120] : memref<4x1024x8192xf32, #tpu.memory_space<hbm>> -> memref<4x64x128xf32, #tpu.memory_space<hbm>>
    %dma_wait3A_129 = tpu.memref_slice %arg9[%dma_wait3A_121] : memref<2x!tpu.dma_semaphore, #tpu.memory_space<semaphore_mem>> -> memref<1x!tpu.dma_semaphore, #tpu.memory_space<semaphore_mem>>
    %dma_wait3A_130 = tpu.memref_squeeze %dma_wait3A_129 : memref<1x!tpu.dma_semaphore, #tpu.memory_space<semaphore_mem>> -> memref<!tpu.dma_semaphore, #tpu.memory_space<semaphore_mem>>
    %dma_wait3A_131 = arith.constant 0 : i32
    %dma_wait3A_132 = tpu.memref_slice %arg4[%dma_wait3A_131, %mul3A_11, %add3A_120] : memref<4x1024x8192xf32, #tpu.memory_space<hbm>> -> memref<4x64x128xf32, #tpu.memory_space<hbm>>
    %dma_wait3A_133 = arith.constant 0 : i32
    %dma_wait3A_134 = arith.constant 0 : i32
    %dma_wait3A_135 = arith.constant 0 : i32
    %dma_wait3A_136 = tpu.memref_slice %arg5[%dma_wait3A, %dma_wait3A_133, %dma_wait3A_134, %dma_wait3A_135] : memref<2x4x64x128xf32, #tpu.memory_space<vmem>> -> memref<1x4x64x128xf32, #tpu.memory_space<vmem>>
    %dma_wait3A_137 = tpu.memref_squeeze %dma_wait3A_136 : memref<1x4x64x128xf32, #tpu.memory_space<vmem>> -> memref<4x64x128xf32, #tpu.memory_space<vmem>>
    tpu.wait_dma2 semaphore(%dma_wait3A_130 : memref<!tpu.dma_semaphore, #tpu.memory_space<semaphore_mem>>) src(%dma_wait3A_137 : memref<4x64x128xf32, #tpu.memory_space<vmem>>) dst(%dma_wait3A_132 : memref<4x64x128xf32, #tpu.memory_space<hbm>>)
    return
  }
}

</mosaic_0001>

<sc_bundles>
// kernel: kernel.3.cloned.1.call-start
scs
__scs_entry_jumppad:
0x0: {  	(pc) =	sbr.rel $0x88, $3  }
0x1: {  	(tag) =	ssettag $0x0;
	lr =	simm.s32 $0x1  }
0x2: {  	[smem:$0x3F9F] =	sst lr;
	_ =	strace $0xD0000000  }
0x3: {  	_ = 	snop  }
0x4: {  	_ = 	snop  }
0x5: {  	_ = 	snop  }
0x6: {  	_ = 	snop  }
0x7: {  	_ = 	snop  }
__scs_overlays_trampoline_lowered:
0x8: {  	[smem:$0x3FAE] =	sst s0  }
0x9: {  	[smem:$0x3FAF] =	sst s1  }
0xa: {  	[smem:$0x3FB0] =	sst s2  }
0xb: {  	[smem:$0x3FB1] =	sst s3  }
0xc: {  	[smem:$0x3FB2] =	sst s4  }
0xd: {  	[smem:$0x3FB3] =	sst s5  }
0xe: {  	[smem:$0x3FB4] =	sst s6  }
0xf: {  	[smem:$0x3FB5] =	sst s7  }
0x10: {  	[smem:$0x3FB6] =	sst s8  }
0x11: {  	[smem:$0x3FB7] =	sst s9;
	s0 =	simm.s32 @!p0 $0x0  }
0x12: {  	s1 =	sld [smem:$0x3F9D];
	s0 =	simm.s32 @p0 $0x1  }
0x13: {  	[smem:$0x3FB8] =	sst s0;
	s0 =	simm.s32 @!p1 $0x0  }
0x14: {  	s2 =	sld [smem:$0x3F9C];
	s0 =	simm.s32 @p1 $0x1  }
0x15: {  	[smem:$0x3FB9] =	sst s0;
	s0 =	simm.s32 @!p2 $0x0  }
0x16: {  	s3 =	sld [smem:$0x3FDB];
	s0 =	simm.s32 @p2 $0x1  }
0x17: {  	s4 =	simm.s32 $0x1BF5;
	[smem:$0x3FBB] =	sst s0  }
0x18: {  	s0 =	sld [smem:$0x3F9E];
	_ =	swait.ge [sflag:s4], $0x0  }
0x19: {  	s7 =	sld [smem:$0x3F9F]  }
0x1a: {  	s8 =	sadd.s32 $0xFFFFE003, lr  }
0x1b: {  	s9 =	sadd.s32 $0xFFFFFEF7, lr;
	s5 =	simm.s32 $0xFFFFFFFF;
	p2 =	slt.u32 s8, $0xFFFFF086  }
0x1c: {  	p1 =	slt.u32 s9, $0xF7A;
	s5 =	simm.s32 @!p2 $0x0  }
0x1d: {  	s5 =	simm.s32 @p1 $0x1;
	p0 =	seq.s32 s7, s2  }
0x1e: {  	s7 =	smul.u32 @!p0 $0xF7A, s2;
	p2 =	seq.s32 @!p0 s5, $0x0  }
0x1f: {  	s9 =	smul.u32 $0xF7A, s1;
	s8 =	simm.s32 @!p0 $0x1BF5;
	p2 =	por !p2, p0  }
0x20: {  	[sflag:s8] =	ssyncset.s32 @!p0 $0xFFFFF086;
	s6 =	sadd.s32 @!p0 s3, s7;
	s7 =	simm.s32 @!p0 $0x108  }
0x21: {  	s3 =	sadd.s32 s3, s9;
	s6 =	sadd.s32 @!p0 $0x88, s6;
	s7 =	simm.s32 @p2 $0x1082  }
0x22: {  	[simem:s7], [sflag:s8] =	dma.local @!p0 [hbm:s6], $0xF7A  }
0x23: {  	s9 =	sor.u32 $0xD0000000, s2;
	s6 =	simm.s32 $0x108;
	_ =	swait.ge @!p0 [sflag:s8], $0x0  }
0x24: {  	s3 =	sadd.s32 $0x88, s3;
	s6 =	simm.s32 @!p1 $0x1082;
	[sflag:s4] =	ssyncset.s32 $0xFFFFF086  }
0x25: {  	[simem:s6], [sflag:s4] =	dma.local [hbm:s3], $0xF7A  }
0x26: {  	[smem:$0x3F9F] =	sst s1;
	(tag) =	ssettag s2;
	_ =	strace s9  }
0x27: {  	s1 =	sld [smem:$0x3FAF]  }
0x28: {  	s2 =	sld [smem:$0x3FB0]  }
0x29: {  	s4 =	sld [smem:$0x3FB2]  }
0x2a: {  	p0 =	seq.s32 s5, $0x0;
	s5 =	sld [smem:$0x3FB3]  }
0x2b: {  	s6 =	sld [smem:$0x3FB4]  }
0x2c: {  	s7 =	sld [smem:$0x3FB5]  }
0x2d: {  	s3 =	simm.s32 $0x108;
	s8 =	sld [smem:$0x3FB6]  }
0x2e: {  	s3 =	simm.s32 @!p0 $0x1082;
	s9 =	sld [smem:$0x3FB7]  }
0x2f: {  	lr =	sadd.s32 s0, s3;
	s0 =	sld [smem:$0x3FAE]  }
0x30: {  	s3 =	sld [smem:$0x3FB1]  }
0x31: {  	[smem:$0x3FBA] =	sst s10  }
0x32: {  	s10 =	sld [smem:$0x3FB8];
	_ =	sdelay $0x3  }
0x33: {  	p0 =	seq.s32 s10, $0x1;
	s10 =	sld [smem:$0x3FBA];
	_ =	sdelay $0x3  }
0x34: {  	[smem:$0x3FBA] =	sst s10  }
0x35: {  	s10 =	sld [smem:$0x3FB9];
	_ =	sdelay $0x3  }
0x36: {  	p1 =	seq.s32 s10, $0x1;
	s10 =	sld [smem:$0x3FBA];
	_ =	sdelay $0x3  }
0x37: {  	[smem:$0x3FBA] =	sst s10  }
0x38: {  	s10 =	sld [smem:$0x3FBB]  }
0x39: {  	_ = 	snop;
	(pc) =	sbr.ind lr, $3  }
0x3a: {  	_ = 	snop  }
0x3b: {  	_ = 	snop  }
0x3c: {  	p2 =	seq.s32 s10, $0x1;
	s10 =	sld [smem:$0x3FBA]  }
0x3d: {  	_ =	shalt  }
0x3e: {  	_ =	shalt  }
0x3f: {  	_ =	shalt  }
0x40: {  	_ =	shalt  }
0x41: {  	_ =	shalt  }
0x42: {  	_ =	shalt  }
0x43: {  	_ =	shalt  }
0x44: {  	_ =	shalt  }
0x45: {  	_ =	shalt  }
0x46: {  	_ =	shalt  }
0x47: {  	_ =	shalt  }
0x48: {  	_ =	shalt  }
0x49: {  	_ =	shalt  }
0x4a: {  	_ =	shalt  }
0x4b: {  	_ =	shalt  }
0x4c: {  	_ =	shalt  }
0x4d: {  	_ =	shalt  }
0x4e: {  	_ =	shalt  }
0x4f: {  	_ =	shalt  }
0x50: {  	_ =	shalt  }
0x51: {  	_ =	shalt  }
0x52: {  	_ =	shalt  }
0x53: {  	_ =	shalt  }
0x54: {  	_ =	shalt  }
0x55: {  	_ =	shalt  }
0x56: {  	_ =	shalt  }
0x57: {  	_ =	shalt  }
0x58: {  	_ =	shalt  }
0x59: {  	_ =	shalt  }
0x5a: {  	_ =	shalt  }
0x5b: {  	_ =	shalt  }
0x5c: {  	_ =	shalt  }
0x5d: {  	_ =	shalt  }
0x5e: {  	_ =	shalt  }
0x5f: {  	_ =	shalt  }
0x60: {  	_ =	shalt  }
0x61: {  	_ =	shalt  }
0x62: {  	_ =	shalt  }
0x63: {  	_ =	shalt  }
0x64: {  	_ =	shalt  }
0x65: {  	_ =	shalt  }
0x66: {  	_ =	shalt  }
0x67: {  	_ =	shalt  }
0x68: {  	_ =	shalt  }
0x69: {  	_ =	shalt  }
0x6a: {  	_ =	shalt  }
0x6b: {  	_ =	shalt  }
0x6c: {  	_ =	shalt  }
0x6d: {  	_ =	shalt  }
0x6e: {  	_ =	shalt  }
0x6f: {  	_ =	shalt  }
0x70: {  	_ =	shalt  }
0x71: {  	_ =	shalt  }
0x72: {  	_ =	shalt  }
0x73: {  	_ =	shalt  }
0x74: {  	_ =	shalt  }
0x75: {  	_ =	shalt  }
0x76: {  	_ =	shalt  }
0x77: {  	_ =	shalt  }
0x78: {  	_ =	shalt  }
0x79: {  	_ =	shalt  }
0x7a: {  	_ =	shalt  }
0x7b: {  	_ =	shalt  }
0x7c: {  	_ =	shalt  }
0x7d: {  	_ =	shalt  }
0x7e: {  	_ =	shalt  }
0x7f: {  	_ =	shalt  }
0x80: {  	_ =	shalt  }
0x81: {  	_ =	shalt  }
0x82: {  	_ =	shalt  }
0x83: {  	_ =	shalt  }
0x84: {  	_ =	shalt  }
0x85: {  	_ =	shalt  }
0x86: {  	_ =	shalt  }
0x87: {  	_ =	shalt  }
.Lfunc_end0:
.L_simem_size_0:
called_computation_lowered:
.L_overlay_start_0:
0x88: {  	s2 =	sld [smem:$0x3FD9]  }
0x89: {  	s3 =	sld [smem:$0x3FFE];
	_ =	sdelay $0x1  }
0x8a: {  	s1 =	srdreg.scid  }
0x8b: {  	s0 =	sand.u32 $0x1, s1  }
0x8c: {  	s18 =	sshll.u32 s0, $0xA;
	s2 =	sadd.s32 s3, s2  }
0x8d: {  	s2 =	sadd.s32 s2, s18  }
0x8e: {  	[smem:$0x3FC6] =	sst s2  }
0x8f: {  	_ = 	snop  }
0x90: {  	s2 =	sld [smem:$0x3FC9]  }
0x91: {  	s19 =	sld [smem:$0x3FC8]  }
0x92: {  	s4 =	sld [smem:$0x3FD0];
	(tm) =	ssettm $0x1  }
0x93: {  	s5 =	sld [smem:$0x3FFB];
	_ =	sdelay $0x3  }
0x94: {  	_ =	strace s5  }
0x95: {  	s5 =	sld [smem:$0x3FFC];
	_ =	sdelay $0x3  }
0x96: {  	_ =	strace s5  }
0x97: {  	s5 =	sld [smem:$0x3FFD];
	_ =	sdelay $0x3  }
0x98: {  	_ =	strace s5  }
0x99: {  	_ =	strace $0x8FFFFFFF  }
0x9a: {  	s20 =	sld [smem:$0x3FDB];
	_ =	sdelay $0x1  }
0x9b: {  	s6 =	simm.s32 $_scs_section_size  }
0x9c: {  	s7 =	simm.s32 $_size__tile_overlayer_lowered;
	s8 =	simm.s32 $_tile_overlayer_lowered  }
0x9d: {  	s23 =	simm.s32 $0x1BFF;
	s22 =	sshll.u32 s8, $0x1;
	s5 =	sadd.s32 s6, s20  }
0x9e: {  	s9 =	simm.s32 $0x0;
	s21 =	sshll.u32 s7, $0x1;
	s7 =	sadd.s32 s22, s5  }
0x9f: {  	[timem:s9], [sflag:s23] =	dma.local [hbm:s7], s21  }
0xa0: {  	_ =	swait.ge [sflag:s23], s21  }
0xa1: {  	s6 =	ssub.s32 $0x0, s21;
	[sflag:s23] =	ssyncset.done $0x0  }
0xa2: {  	[sflag:s23] =	ssyncadd.s32 s6;
	_ =	sdelay $0x1  }
0xa3: {  	s24 =	simm.s32 $0x1B8B  }
0xa4: {  	_ =	swait.ge [sflag:s24], $0x1  }
0xa5: {  	[sflag:s24] =	ssyncset.done $0x0  }
0xa6: {  	s25 =	simm.s32 $0x1B8E;
	[sflag:s24] =	ssyncadd.s32 $0xFFFFFFFF  }
0xa7: {  	s26 =	simm.s32 $execute0_lowered;
	[smem:$0x3FD2] =	sst s25  }
0xa8: {  	s6 =	sshll.u32 s26, $0x1;
	_ =	strace $0x80000046;
	[dreg:$0x1] =	wrdreg $0xFFFFFFFF  }
0xa9: {  	s28 =	simm.s32 $_size_execute0_lowered;
	s5 =	sadd.s32 s5, s6;
	[dreg:$0x0] =	wrdreg $0x0  }
0xaa: {  	s6 =	sshll.u32 s28, $0x1;
	[dreg:$0x2] =	wrdreg s5  }
0xab: {  	[dreg:$0x3] =	wrdreg s6  }
0xac: {  	[dreg:$0x4] =	wrdreg $0xC0  }
0xad: {  	_ =	task [dreg:s9], $0x5FFFF  }
0xae: {  	[dreg:$0x1] =	wrdreg $0xFFFFFFFF  }
0xaf: {  	[dreg:$0x0] =	wrdreg $0x60  }
0xb0: {  	[dreg:$0x2] =	wrdreg s2  }
0xb1: {  	[dreg:$0x3] =	wrdreg s19  }
0xb2: {  	[dreg:$0x4] =	wrdreg s4  }
0xb3: {  	[dreg:$0x5] =	wrdreg $0x9  }
0xb4: {  	_ =	task.clear_ibuf [dreg:s9], $0x6FFFF;
	_ =	strace $0x90000046  }
0xb5: {  	s29 =	simm.s32 $0x9;
	_ =	strace $0x80000048  }
0xb6: {  	_ =	swait.ge [sflag:s29], $0x1  }
0xb7: {  	[sflag:s29] =	ssyncadd.s32 $0xFFFFFFFF  }
0xb8: {  	_ =	strace $0x90000048  }
0xb9: {  	_ =	sfence  }
0xba: {  	s30 =	sld [smem:$0x0];
	_ =	sdelay $0x2  }
0xbb: {  	s31 =	sshll.u32 s1, $0xD;
	s1 =	sshrl.u32 s1, $0x2  }
0xbc: {  	s3 =	sand.u32 $0x4000, s31;
	s1 =	sadd.s32 s1, s30  }
0xbd: {  	s0 =	sor.u32 s3, s0;
	s1 =	sshll.u32 s1, $0x11  }
0xbe: {  	s0 =	sor.u32 s1, s0  }
0xbf: {  	s0 =	sadd.s32 $0x8F2B, s0  }
0xc0: {  	[sflag:s0] =	ssyncadd.remote.s32 $0x1  }
0xc1: {  	_ =	sfence.sel $0xFFFF  }
0xc2: {  	[dreg:$0x0] =	wrdreg $0xFFFFFFFF;
	(pc) =	sbr.abs _section_cstart, $3  }
0xc3: {  	[dreg:$0x1] =	wrdreg $0xFFFFFFFF  }
0xc4: {  	_ =	task.clear_ibuf [dreg:s9], $0x2FFFF;
	_ =	strace $0x9FFFFFFF  }
0xc5: {  	(tm) =	ssettm $0x7FFFFFFF  }
tec
execute0_lowered:
.L_overlay_start_1:
0x0: {  	(tag) =	ssettag $0x1  }
0x1: {  	s0 =	rddreg [dreg:$0x0]  }
0x2: {  	s1 =	rddreg [dreg:$0x1]  }
0x3: {  	s2 =	rddreg [dreg:$0x2];
	s3 =	srdreg.scid;
	s4 =	simm.s32 $0x0  }
0x4: {  	s25 =	stileid.u32;
	s16 =	simm.s32 $0x400;
	s17 =	simm.s32 $0x2000  }
0x5: {  	s18 =	simm.s32 $0x10000;
	s20 =	simm.s32 $0x6000;
	s21 =	simm.s32 $0x6  }
0x6: {  	s22 =	simm.s32 $0x0;
	s3 =	sand.u32 $0x1, s3;
	[smem:$0x7FF] =	sst s4  }
0x7: {  	s7 =	sshll.u32 s25, $0x1;
	s28 =	sshll.u32 s25, $0xA;
	s8 =	sshrl.u32 s25, $0x3  }
0x8: {  	s5 =	ssub.s32 $0x2, s3;
	_ =	strace $0x80000047;
	s26 =	sand.u32 $0xE, s7  }
0x9: {  	s29 =	sshll.u32 s8, $0x16;
	s10 =	sshll.u32 s8, $0xF;
	s6 =	sshrl.u32 s5, $0x1  }
0xa: {  	v0 =	vlaneseq.u32;
	s8 =	sshll.u32 s8, $0xC;
	s11 =	sor.u32 s3, s26;
	s12 =	ssub.s32 s5, s6  }
0xb: {  	v0 =	vmul.u32 $0x80, v0;
	s5 =	sand.u32 $0x1C00, s28;
	s9 =	sshll.u32 s11, $0x13;
	s6 =	sshll.u32 s3, $0x6  }
0xc: {  	s31 =	sshll.u32 s11, $0x10;
	s30 =	sor.u32 s5, s29;
	s7 =	sor.u32 s10, s9  }
0xd: {  	v1 =	vor.u32 $0x800, v0;
	s11 =	sadd.s32 s0, s31;
	s3 =	sshrl.u32 s30, $0x3;
	s10 =	sshrl.u32 s7, $0x3  }
0xe: {  	v2 =	vor.u32 $0x1000, v0;
	v3 =	vor.u32 $0x1800, v0;
	v4 =	vor.u32 $0x2000, v0;
	s12 =	smax.u32 s12, $0x1;
	s9 =	sadd.s32 s1, s3;
	s10 =	sadd.s32 s0, s10  }
0xf: {  	v5 =	vor.u32 $0x2800, v0;
	v6 =	vor.u32 $0x3000, v0;
	v7 =	vor.u32 $0x3800, v0;
	s13 =	sadd.s32 $0x100000, s10;
	s14 =	sadd.s32 $0x200000, s10;
	s15 =	sadd.s32 $0x300000, s10  }
.LBB2_1:
0x10: {  	[tilespmem:s18], [sflag:$0x3] =	stream.strided.gather [hbm4b:s9+s16], $0x4000, s17, s16, $0x38;
	[tilespmem:$0x18000] =	vst v63  }
0x11: {  	s0 =	simm.s32 $0x0  }
0x12: {  	[tilespmem:s0], [sflag:$0x1] =	stream.strided.gather [hbm4b:s10+s16], $0x2000, s18, s16, $0x38;
	[tilespmem:$0x18000] =	vst v63  }
0x13: {  	_ = 	snop  }
0x14: {  	[tilespmem:s17], [sflag:$0x1] =	stream.strided.gather [hbm4b:s13+s16], $0x2000, s18, s16, $0x38;
	[tilespmem:$0x18000] =	vst v63  }
0x15: {  	s31 =	simm.s32 $0x4000  }
0x16: {  	[tilespmem:s31], [sflag:$0x1] =	stream.strided.gather [hbm4b:s14+s16], $0x2000, s18, s16, $0x38;
	[tilespmem:$0x18000] =	vst v63  }
0x17: {  	s25 =	simm.s32 $0x0  }
0x18: {  	[tilespmem:s20], [sflag:$0x1] =	stream.strided.gather [hbm4b:s15+s16], $0x2000, s18, s16, $0x38;
	[tilespmem:$0x18000] =	vst v63  }
.LBB2_2:
0x19: {  	p0 =	seq.s32 s25, $0x0  }
0x1a: {  	p1 =	seq.s32 @!p0 s25, $0x1F  }
0x1b: {  	s23 =	sand.u32 $0x1, s25;
	p1 =	por p0, !p1  }
.Ltmp0:
0x1c: {  	s0 =	sxor.u32 $0x1, s23;
	(pc) =	sbr.rel @!p1 .LBB2_4-.Ltmp0, $4  }
0x1d: {  	s3 =	sadd.s32 @!p0 $0x5, s0  }
0x1e: {  	_ =	swait.ge @!p0 [sflag:s3], $0x8000  }
0x1f: {  	[sflag:s3] =	ssyncset.done @!p0 $0x0  }
0x20: {  	s24 =	simm.s32 @!p0 $0x20;
	[sflag:s3] =	ssyncadd.s32 @!p0 $0xFFFF8000  }
0x21: {  	s24 =	sadd.s32 @!p0 $0x1, s25  }
0x22: {  	s24 =	simm.s32 @p0 $0x1  }
0x23: {  	s3 =	sshll.u32 s24, $0x7  }
0x24: {  	s3 =	sadd.s32 s8, s3  }
0x25: {  	s26 =	sshll.u32 s3, $0xA  }
0x26: {  	s28 =	sand.u32 $0x1, s24;
	s26 =	sor.u32 s5, s26  }
0x27: {  	s29 =	sshll.u32 s28, $0xE;
	s26 =	sshrl.u32 s26, $0x3  }
0x28: {  	s28 =	sadd.s32 $0x3, s28;
	s29 =	sor.u32 $0x10000, s29;
	s26 =	sadd.s32 s1, s26  }
0x29: {  	[tilespmem:s29], [sflag:s28] =	stream.strided.gather [hbm4b:s26+s16], $0x4000, s17, s16, $0x38;
	[tilespmem:$0x18000] =	vst v63  }
0x2a: {  	s3 =	sadd.s32 s3, s11;
	s26 =	sadd.s32 $0x1, s0;
	s0 =	sshll.u32 s0, $0xF  }
0x2b: {  	[tilespmem:s0], [sflag:s26] =	stream.strided.gather [hbm4b:s3+s16], $0x2000, s18, s16, $0x38;
	[tilespmem:$0x18000] =	vst v63  }
0x2c: {  	s4 =	sadd.s32 $0x100000, s3;
	s19 =	sor.u32 $0x2000, s0  }
0x2d: {  	[tilespmem:s19], [sflag:s26] =	stream.strided.gather [hbm4b:s4+s16], $0x2000, s18, s16, $0x38;
	[tilespmem:$0x18000] =	vst v63  }
0x2e: {  	s30 =	sadd.s32 $0x200000, s3;
	s31 =	sor.u32 $0x4000, s0  }
0x2f: {  	[tilespmem:s31], [sflag:s26] =	stream.strided.gather [hbm4b:s30+s16], $0x2000, s18, s16, $0x38;
	[tilespmem:$0x18000] =	vst v63  }
0x30: {  	s3 =	sadd.s32 $0x300000, s3;
	s0 =	sor.u32 $0x6000, s0  }
0x31: {  	[tilespmem:s0], [sflag:s26] =	stream.strided.gather [hbm4b:s3+s16], $0x2000, s18, s16, $0x38;
	[tilespmem:$0x18000] =	vst v63  }
.LBB2_4:
0x32: {  	s0 =	sadd.s32 $0xFFFFFFFE, s6  }
0x33: {  	s3 =	sadd.s32 $0x3, s0  }
0x34: {  	v8 =	vmov s3  }
0x35: {  	v8 =	vand.u32 $0x7F, v8  }
0x36: {  	s4 =	sadd.s32 $0x3, s23;
	v9 =	vbroadcast v8, $0x0  }
0x37: {  	_ =	swait.ge [sflag:s4], $0x4000  }
0x38: {  	[sflag:s4] =	ssyncset.done $0x0;
	v8 =	vor.u32 v0, v9  }
0x39: {  	s19 =	sadd.s32 $0x1, s23;
	s0 =	sadd.s32 $0x2, s0;
	[sflag:s4] =	ssyncadd.s32 $0xFFFFC000;
	v10 =	vor.u32 v1, v9  }
0x3a: {  	v12 =	vmov s0;
	_ =	swait.ge [sflag:s19], $0x8000;
	v11 =	vor.u32 v7, v9  }
0x3b: {  	s26 =	sshll.u32 s23, $0xE;
	v14 =	vand.u32 $0x7E, v12;
	[sflag:s19] =	ssyncset.done $0x0;
	v13 =	vor.u32 v2, v9  }
0x3c: {  	s26 =	sor.u32 $0x10000, s26;
	v18 =	vbroadcast v14, $0x0;
	[sflag:s19] =	ssyncadd.s32 $0xFFFF8000;
	v16 =	vor.u32 v3, v9  }
0x3d: {  	v17 =	vor.u32 v4, v9;
	v8 =	vld.idx.msk [tilespmem:v8+s26+$0x0], $0xffff  }
0x3e: {  	v20 =	vor.u32 v0, v18;
	v12 =	vld.idx.msk [tilespmem:v10+s26+$0x0], $0xffff  }
0x3f: {  	v21 =	vor.u32 v3, v18;
	v15 =	vld.idx.msk [tilespmem:v11+s26+$0x0], $0xffff  }
0x40: {  	v22 =	vor.u32 v5, v18;
	v14 =	vld.idx.msk [tilespmem:v13+s26+$0x0], $0xffff  }
0x41: {  	v23 =	vor.u32 v6, v18;
	v13 =	vld.idx.msk [tilespmem:v16+s26+$0x0], $0xffff  }
0x42: {  	v10 =	vor.u32 v5, v9;
	v11 =	vld.idx.msk [tilespmem:v17+s26+$0x0], $0xffff  }
0x43: {  	v19 =	vor.u32 v6, v9;
	v20 =	vld.idx.msk [tilespmem:v20+s26+$0x0], $0xffff  }
0x44: {  	v21 =	vld.idx.msk [tilespmem:v21+s26+$0x0], $0xffff  }
0x45: {  	v16 =	vor.u32 v1, v18;
	v22 =	vld.idx.msk [tilespmem:v22+s26+$0x0], $0xffff  }
0x46: {  	v17 =	vor.u32 v2, v18;
	v23 =	vld.idx.msk [tilespmem:v23+s26+$0x0], $0xffff  }
0x47: {  	s28 =	sshll.u32 s23, $0xF;
	v63 =	vor.u32 v4, v18;
	v9 =	vld.idx.msk [tilespmem:v10+s26+$0x0], $0xffff  }
0x48: {  	s29 =	sor.u32 $0x60F0, s28;
	v18 =	vor.u32 v7, v18;
	v10 =	vld.idx.msk [tilespmem:v19+s26+$0x0], $0xffff  }
0x49: {  	[tilespmem:s29+$0x0] =	vst.add.f32.msk $0xffff, v15  }
0x4a: {  	v16 =	vld.idx.msk [tilespmem:v16+s26+$0x0], $0xffff  }
0x4b: {  	v17 =	vld.idx.msk [tilespmem:v17+s26+$0x0], $0xffff  }
0x4c: {  	v19 =	vld.idx.msk [tilespmem:v63+s26+$0x0], $0xffff  }
0x4d: {  	v18 =	vld.idx.msk [tilespmem:v18+s26+$0x0], $0xffff  }
0x4e: {  	[tilespmem:s29+$0xFFFF9F10] =	vst.add.f32.msk $0xffff, v20  }
0x4f: {  	[tilespmem:s29+$0xFFFF9F40] =	vst.add.f32.msk $0xffff, v21  }
0x50: {  	[tilespmem:s29+$0xFFFF9F60] =	vst.add.f32.msk $0xffff, v22  }
0x51: {  	[tilespmem:s29+$0xFFFF9F70] =	vst.add.f32.msk $0xffff, v23  }
0x52: {  	[tilespmem:s29+$0xFFFFBF10] =	vst.add.f32.msk $0xffff, v20  }
0x53: {  	[tilespmem:s29+$0xFFFFBF40] =	vst.add.f32.msk $0xffff, v21  }
0x54: {  	[tilespmem:s29+$0xFFFFBF60] =	vst.add.f32.msk $0xffff, v22  }
0x55: {  	[tilespmem:s29+$0xFFFFBF70] =	vst.add.f32.msk $0xffff, v23  }
0x56: {  	[tilespmem:s29+$0xFFFFDF10] =	vst.add.f32.msk $0xffff, v20  }
0x57: {  	[tilespmem:s29+$0xFFFFDF40] =	vst.add.f32.msk $0xffff, v21  }
0x58: {  	[tilespmem:s29+$0xFFFFDF60] =	vst.add.f32.msk $0xffff, v22  }
0x59: {  	[tilespmem:s29+$0xFFFFDF70] =	vst.add.f32.msk $0xffff, v23  }
0x5a: {  	[tilespmem:s29+$0xFFFFFF10] =	vst.add.f32.msk $0xffff, v20  }
0x5b: {  	[tilespmem:s29+$0xFFFFFF40] =	vst.add.f32.msk $0xffff, v21  }
0x5c: {  	[tilespmem:s29+$0xFFFFFF60] =	vst.add.f32.msk $0xffff, v22  }
0x5d: {  	[tilespmem:s29+$0xFFFFFF70] =	vst.add.f32.msk $0xffff, v23  }
0x5e: {  	[tilespmem:s29+$0xFFFF9F90] =	vst.add.f32.msk $0xffff, v8  }
0x5f: {  	[tilespmem:s29+$0xFFFF9FA0] =	vst.add.f32.msk $0xffff, v12  }
0x60: {  	[tilespmem:s29+$0xFFFF9FB0] =	vst.add.f32.msk $0xffff, v14  }
0x61: {  	[tilespmem:s29+$0xFFFF9FC0] =	vst.add.f32.msk $0xffff, v13  }
0x62: {  	[tilespmem:s29+$0xFFFF9FD0] =	vst.add.f32.msk $0xffff, v11  }
0x63: {  	[tilespmem:s29+$0xFFFFA000] =	vst.add.f32.msk $0xffff, v15  }
0x64: {  	[tilespmem:s29+$0xFFFFBF90] =	vst.add.f32.msk $0xffff, v8  }
0x65: {  	[tilespmem:s29+$0xFFFFBFA0] =	vst.add.f32.msk $0xffff, v12  }
0x66: {  	[tilespmem:s29+$0xFFFFBFB0] =	vst.add.f32.msk $0xffff, v14  }
0x67: {  	[tilespmem:s29+$0xFFFFBFC0] =	vst.add.f32.msk $0xffff, v13  }
0x68: {  	[tilespmem:s29+$0xFFFFBFD0] =	vst.add.f32.msk $0xffff, v11  }
0x69: {  	[tilespmem:s29+$0xFFFFC000] =	vst.add.f32.msk $0xffff, v15  }
0x6a: {  	[tilespmem:s29+$0xFFFFDF90] =	vst.add.f32.msk $0xffff, v8  }
0x6b: {  	[tilespmem:s29+$0xFFFFDFA0] =	vst.add.f32.msk $0xffff, v12  }
0x6c: {  	[tilespmem:s29+$0xFFFFDFB0] =	vst.add.f32.msk $0xffff, v14  }
0x6d: {  	[tilespmem:s29+$0xFFFFDFC0] =	vst.add.f32.msk $0xffff, v13  }
0x6e: {  	[tilespmem:s29+$0xFFFF9F20] =	vst.add.f32.msk $0xffff, v16  }
0x6f: {  	[tilespmem:s29+$0xFFFF9F30] =	vst.add.f32.msk $0xffff, v17  }
0x70: {  	[tilespmem:s29+$0xFFFF9F50] =	vst.add.f32.msk $0xffff, v19  }
0x71: {  	[tilespmem:s29+$0xFFFF9F80] =	vst.add.f32.msk $0xffff, v18  }
0x72: {  	[tilespmem:s29+$0xFFFFBF20] =	vst.add.f32.msk $0xffff, v16  }
0x73: {  	[tilespmem:s29+$0xFFFFBF30] =	vst.add.f32.msk $0xffff, v17  }
0x74: {  	[tilespmem:s29+$0xFFFFBF50] =	vst.add.f32.msk $0xffff, v19  }
0x75: {  	[tilespmem:s29+$0xFFFFBF80] =	vst.add.f32.msk $0xffff, v18  }
0x76: {  	[tilespmem:s29+$0xFFFFDF20] =	vst.add.f32.msk $0xffff, v16  }
0x77: {  	[tilespmem:s29+$0xFFFFDF30] =	vst.add.f32.msk $0xffff, v17  }
0x78: {  	[tilespmem:s29+$0xFFFFDF50] =	vst.add.f32.msk $0xffff, v19  }
0x79: {  	[tilespmem:s29+$0xFFFFDF80] =	vst.add.f32.msk $0xffff, v18  }
0x7a: {  	[tilespmem:s29+$0xFFFFFF20] =	vst.add.f32.msk $0xffff, v16  }
0x7b: {  	[tilespmem:s29+$0xFFFFFF30] =	vst.add.f32.msk $0xffff, v17  }
0x7c: {  	[tilespmem:s29+$0xFFFFFF50] =	vst.add.f32.msk $0xffff, v19  }
0x7d: {  	[tilespmem:s29+$0xFFFFFF80] =	vst.add.f32.msk $0xffff, v18  }
0x7e: {  	[tilespmem:s29+$0xFFFF9FE0] =	vst.add.f32.msk $0xffff, v9  }
0x7f: {  	[tilespmem:s29+$0xFFFF9FF0] =	vst.add.f32.msk $0xffff, v10  }
0x80: {  	s31 =	sor.u32 $0x2000, s28;
	[tilespmem:s29+$0xFFFFBFE0] =	vst.add.f32.msk $0xffff, v9  }
0x81: {  	s30 =	sor.u32 $0x6000, s28;
	s0 =	sor.u32 $0x4000, s28;
	s3 =	simm.s32 $0x0;
	[tilespmem:s29+$0xFFFFBFF0] =	vst.add.f32.msk $0xffff, v10  }
.LBB2_5:
0x82: {  	s4 =	sadd.s32 s3, s6;
	[tilespmem:s29+$0xFFFFDFD0] =	vst.add.f32.msk $0xffff, v11  }
0x83: {  	s19 =	sadd.s32 $0x2, s4;
	s4 =	sadd.s32 $0x3, s4;
	[tilespmem:s29+$0xFFFFDFE0] =	vst.add.f32.msk $0xffff, v9  }
0x84: {  	s3 =	sadd.s32 $0x2, s3;
	v16 =	vmov s19;
	v17 =	vmov s4;
	[tilespmem:s29+$0xFFFFDFF0] =	vst.add.f32.msk $0xffff, v10  }
0x85: {  	p0 =	slt.u32 s3, $0x3E;
	v16 =	vand.u32 $0x7E, v16;
	v17 =	vand.u32 $0x7F, v17;
	[tilespmem:s29+$0xFFFFE000] =	vst.add.f32.msk $0xffff, v15  }
0x86: {  	v15 =	vbroadcast v16, $0x0;
	v16 =	vbroadcast v17, $0x0;
	[tilespmem:s29+$0xFFFFFF90] =	vst.add.f32.msk $0xffff, v8  }
0x87: {  	[tilespmem:s29+$0xFFFFFFA0] =	vst.add.f32.msk $0xffff, v12  }
0x88: {  	v17 =	vor.u32 v0, v15;
	v18 =	vor.u32 v1, v15;
	v8 =	vor.u32 v0, v16;
	[tilespmem:s29+$0xFFFFFFB0] =	vst.add.f32.msk $0xffff, v14  }
0x89: {  	v19 =	vor.u32 v2, v15;
	v20 =	vor.u32 v3, v15;
	v12 =	vor.u32 v1, v16;
	[tilespmem:s29+$0xFFFFFFC0] =	vst.add.f32.msk $0xffff, v13  }
0x8a: {  	v21 =	vor.u32 v4, v15;
	v22 =	vor.u32 v5, v15;
	v13 =	vor.u32 v7, v16;
	[tilespmem:s29+$0xFFFFFFD0] =	vst.add.f32.msk $0xffff, v11  }
0x8b: {  	v23 =	vor.u32 v6, v15;
	v24 =	vor.u32 v7, v15;
	v11 =	vor.u32 v2, v16;
	[tilespmem:s29+$0xFFFFFFE0] =	vst.add.f32.msk $0xffff, v9  }
0x8c: {  	v9 =	vor.u32 v3, v16;
	[tilespmem:s29+$0xFFFFFFF0] =	vst.add.f32.msk $0xffff, v10  }
0x8d: {  	v10 =	vor.u32 v4, v16;
	v8 =	vld.idx.msk [tilespmem:v8+s26+$0x0], $0xffff  }
0x8e: {  	v25 =	vor.u32 v5, v16;
	v12 =	vld.idx.msk [tilespmem:v12+s26+$0x0], $0xffff  }
0x8f: {  	v16 =	vor.u32 v6, v16;
	v15 =	vld.idx.msk [tilespmem:v13+s26+$0x0], $0xffff  }
0x90: {  	v14 =	vld.idx.msk [tilespmem:v11+s26+$0x0], $0xffff  }
0x91: {  	v13 =	vld.idx.msk [tilespmem:v9+s26+$0x0], $0xffff  }
0x92: {  	v11 =	vld.idx.msk [tilespmem:v10+s26+$0x0], $0xffff  }
0x93: {  	v9 =	vld.idx.msk [tilespmem:v25+s26+$0x0], $0xffff  }
0x94: {  	s29 =	sadd.s32 $0x100, s29;
	v10 =	vld.idx.msk [tilespmem:v16+s26+$0x0], $0xffff  }
0x95: {  	[tilespmem:s29+$0x0] =	vst.add.f32.msk $0xffff, v15  }
0x96: {  	v16 =	vld.idx.msk [tilespmem:v17+s26+$0x0], $0xffff  }
0x97: {  	v17 =	vld.idx.msk [tilespmem:v18+s26+$0x0], $0xffff  }
0x98: {  	v18 =	vld.idx.msk [tilespmem:v19+s26+$0x0], $0xffff  }
0x99: {  	v19 =	vld.idx.msk [tilespmem:v20+s26+$0x0], $0xffff  }
0x9a: {  	v20 =	vld.idx.msk [tilespmem:v21+s26+$0x0], $0xffff  }
0x9b: {  	v21 =	vld.idx.msk [tilespmem:v22+s26+$0x0], $0xffff  }
0x9c: {  	v22 =	vld.idx.msk [tilespmem:v23+s26+$0x0], $0xffff  }
0x9d: {  	v23 =	vld.idx.msk [tilespmem:v24+s26+$0x0], $0xffff  }
0x9e: {  	[tilespmem:s29+$0xFFFF9F10] =	vst.add.f32.msk $0xffff, v16  }
0x9f: {  	[tilespmem:s29+$0xFFFF9F20] =	vst.add.f32.msk $0xffff, v17  }
0xa0: {  	[tilespmem:s29+$0xFFFF9F30] =	vst.add.f32.msk $0xffff, v18  }
0xa1: {  	[tilespmem:s29+$0xFFFF9F40] =	vst.add.f32.msk $0xffff, v19  }
0xa2: {  	[tilespmem:s29+$0xFFFF9F50] =	vst.add.f32.msk $0xffff, v20  }
0xa3: {  	[tilespmem:s29+$0xFFFF9F60] =	vst.add.f32.msk $0xffff, v21  }
0xa4: {  	[tilespmem:s29+$0xFFFF9F70] =	vst.add.f32.msk $0xffff, v22  }
0xa5: {  	[tilespmem:s29+$0xFFFF9F80] =	vst.add.f32.msk $0xffff, v23  }
0xa6: {  	[tilespmem:s29+$0xFFFFBF10] =	vst.add.f32.msk $0xffff, v16  }
0xa7: {  	[tilespmem:s29+$0xFFFFBF20] =	vst.add.f32.msk $0xffff, v17  }
0xa8: {  	[tilespmem:s29+$0xFFFFBF30] =	vst.add.f32.msk $0xffff, v18  }
0xa9: {  	[tilespmem:s29+$0xFFFFBF40] =	vst.add.f32.msk $0xffff, v19  }
0xaa: {  	[tilespmem:s29+$0xFFFFBF50] =	vst.add.f32.msk $0xffff, v20  }
0xab: {  	[tilespmem:s29+$0xFFFFBF60] =	vst.add.f32.msk $0xffff, v21  }
0xac: {  	[tilespmem:s29+$0xFFFFBF70] =	vst.add.f32.msk $0xffff, v22  }
0xad: {  	[tilespmem:s29+$0xFFFFBF80] =	vst.add.f32.msk $0xffff, v23  }
0xae: {  	[tilespmem:s29+$0xFFFFDF10] =	vst.add.f32.msk $0xffff, v16  }
0xaf: {  	[tilespmem:s29+$0xFFFFDF20] =	vst.add.f32.msk $0xffff, v17  }
0xb0: {  	[tilespmem:s29+$0xFFFFDF30] =	vst.add.f32.msk $0xffff, v18  }
0xb1: {  	[tilespmem:s29+$0xFFFFDF40] =	vst.add.f32.msk $0xffff, v19  }
0xb2: {  	[tilespmem:s29+$0xFFFFDF50] =	vst.add.f32.msk $0xffff, v20  }
0xb3: {  	[tilespmem:s29+$0xFFFFDF60] =	vst.add.f32.msk $0xffff, v21  }
0xb4: {  	[tilespmem:s29+$0xFFFFDF70] =	vst.add.f32.msk $0xffff, v22  }
0xb5: {  	[tilespmem:s29+$0xFFFFDF80] =	vst.add.f32.msk $0xffff, v23  }
0xb6: {  	[tilespmem:s29+$0xFFFFFF10] =	vst.add.f32.msk $0xffff, v16  }
0xb7: {  	[tilespmem:s29+$0xFFFFFF20] =	vst.add.f32.msk $0xffff, v17  }
0xb8: {  	[tilespmem:s29+$0xFFFFFF30] =	vst.add.f32.msk $0xffff, v18  }
0xb9: {  	[tilespmem:s29+$0xFFFFFF40] =	vst.add.f32.msk $0xffff, v19  }
0xba: {  	[tilespmem:s29+$0xFFFFFF50] =	vst.add.f32.msk $0xffff, v20  }
0xbb: {  	[tilespmem:s29+$0xFFFFFF60] =	vst.add.f32.msk $0xffff, v21  }
0xbc: {  	[tilespmem:s29+$0xFFFFFF70] =	vst.add.f32.msk $0xffff, v22  }
0xbd: {  	[tilespmem:s29+$0xFFFFFF80] =	vst.add.f32.msk $0xffff, v23  }
0xbe: {  	[tilespmem:s29+$0xFFFF9F90] =	vst.add.f32.msk $0xffff, v8  }
0xbf: {  	[tilespmem:s29+$0xFFFF9FA0] =	vst.add.f32.msk $0xffff, v12  }
0xc0: {  	[tilespmem:s29+$0xFFFF9FB0] =	vst.add.f32.msk $0xffff, v14  }
0xc1: {  	[tilespmem:s29+$0xFFFF9FC0] =	vst.add.f32.msk $0xffff, v13  }
0xc2: {  	[tilespmem:s29+$0xFFFF9FD0] =	vst.add.f32.msk $0xffff, v11  }
0xc3: {  	[tilespmem:s29+$0xFFFF9FE0] =	vst.add.f32.msk $0xffff, v9  }
0xc4: {  	[tilespmem:s29+$0xFFFF9FF0] =	vst.add.f32.msk $0xffff, v10  }
0xc5: {  	[tilespmem:s29+$0xFFFFA000] =	vst.add.f32.msk $0xffff, v15  }
0xc6: {  	[tilespmem:s29+$0xFFFFBF90] =	vst.add.f32.msk $0xffff, v8  }
0xc7: {  	[tilespmem:s29+$0xFFFFBFA0] =	vst.add.f32.msk $0xffff, v12  }
0xc8: {  	[tilespmem:s29+$0xFFFFBFB0] =	vst.add.f32.msk $0xffff, v14  }
0xc9: {  	[tilespmem:s29+$0xFFFFBFC0] =	vst.add.f32.msk $0xffff, v13  }
0xca: {  	[tilespmem:s29+$0xFFFFBFD0] =	vst.add.f32.msk $0xffff, v11  }
0xcb: {  	[tilespmem:s29+$0xFFFFBFE0] =	vst.add.f32.msk $0xffff, v9  }
0xcc: {  	[tilespmem:s29+$0xFFFFBFF0] =	vst.add.f32.msk $0xffff, v10  }
.Ltmp1:
0xcd: {  	[tilespmem:s29+$0xFFFFC000] =	vst.add.f32.msk $0xffff, v15;
	(pc) =	sbr.rel @p0 .LBB2_5-.Ltmp1, $4  }
0xce: {  	[tilespmem:s29+$0xFFFFDF90] =	vst.add.f32.msk $0xffff, v8  }
0xcf: {  	[tilespmem:s29+$0xFFFFDFA0] =	vst.add.f32.msk $0xffff, v12  }
0xd0: {  	[tilespmem:s29+$0xFFFFDFB0] =	vst.add.f32.msk $0xffff, v14  }
0xd1: {  	[tilespmem:s29+$0xFFFFDFC0] =	vst.add.f32.msk $0xffff, v13  }
0xd2: {  	[tilespmem:s29+$0xFFFFDFD0] =	vst.add.f32.msk $0xffff, v11  }
0xd3: {  	[tilespmem:s29+$0xFFFFDFE0] =	vst.add.f32.msk $0xffff, v9  }
0xd4: {  	[tilespmem:s29+$0xFFFFDFF0] =	vst.add.f32.msk $0xffff, v10  }
0xd5: {  	[tilespmem:s29+$0xFFFFE000] =	vst.add.f32.msk $0xffff, v15  }
0xd6: {  	[tilespmem:s29+$0xFFFFFF90] =	vst.add.f32.msk $0xffff, v8  }
0xd7: {  	[tilespmem:s29+$0xFFFFFFA0] =	vst.add.f32.msk $0xffff, v12  }
0xd8: {  	[tilespmem:s29+$0xFFFFFFB0] =	vst.add.f32.msk $0xffff, v14  }
0xd9: {  	[tilespmem:s29+$0xFFFFFFC0] =	vst.add.f32.msk $0xffff, v13;
	s3 =	sshll.u32 s25, $0xA  }
0xda: {  	[tilespmem:s29+$0xFFFFFFD0] =	vst.add.f32.msk $0xffff, v11;
	s3 =	sor.u32 s7, s3  }
0xdb: {  	[tilespmem:s29+$0xFFFFFFE0] =	vst.add.f32.msk $0xffff, v9;
	s3 =	sshrl.u32 s3, $0x3  }
0xdc: {  	[tilespmem:s29+$0xFFFFFFF0] =	vst.add.f32.msk $0xffff, v10;
	s4 =	sadd.s32 $0x5, s23;
	s3 =	sadd.s32 s2, s3  }
0xdd: {  	[hbm4b:s3+s16] =	stream.strided.scatter [tilespmem:s28], [sflag:s4], $0x2000, s18, s16, $0x38;
	[tilespmem:$0x18000] =	vst v63  }
0xde: {  	p0 =	slt.u32 s24, $0x20;
	s19 =	sadd.s32 $0x100000, s3  }
0xdf: {  	[hbm4b:s19+s16] =	stream.strided.scatter [tilespmem:s31], [sflag:s4], $0x2000, s18, s16, $0x38;
	[tilespmem:$0x18000] =	vst v63  }
.Ltmp2:
0xe0: {  	_ = 	snop;
	(pc) =	sbr.rel @p0 .LBB2_2-.Ltmp2, $4  }
0xe1: {  	s29 =	sadd.s32 $0x200000, s3  }
0xe2: {  	[hbm4b:s29+s16] =	stream.strided.scatter [tilespmem:s0], [sflag:s4], $0x2000, s18, s16, $0x38;
	[tilespmem:$0x18000] =	vst v63  }
0xe3: {  	s25 =	smov.u32 s24;
	s31 =	sadd.s32 $0x300000, s3  }
0xe4: {  	[hbm4b:s31+s16] =	stream.strided.scatter [tilespmem:s30], [sflag:s4], $0x2000, s18, s16, $0x38;
	[tilespmem:$0x18000] =	vst v63  }
0xe5: {  	s22 =	sadd.s32 $0x1, s22  }
0xe6: {  	p0 =	sne.s32 s22, s12  }
.Ltmp3:
0xe7: {  	_ = 	snop;
	(pc) =	sbr.rel @p0 .LBB2_1-.Ltmp3, $4  }
0xe8: {  	_ = 	snop  }
0xe9: {  	_ =	swait.ge [sflag:s21], $0x8000  }
0xea: {  	[sflag:s21] =	ssyncset.done $0x0  }
0xeb: {  	[sflag:s21] =	ssyncadd.s32 $0xFFFF8000  }
0xec: {  	_ =	sfence.sel $0x180000  }
0xed: {  	[bflag:$0x0] =	sbarrier.arrive $0xFFFF  }
0xee: {  	_ =	strace $0x90000047  }
0xef: {  	s0 =	stileid.u32;
	[bflag:$0x2] =	sbarrier.arrive $0xFFFF  }
0xf0: {  	p0 =	sne.s32 s0, $0x0;
	s0 =	rddreg [dreg:$0x3]  }
0xf1: {  	s0 =	sadd.s32 @!p0 $0x100000, s0  }
0xf2: {  	[sflag:s0] =	ssyncadd.tile.s32 @!p0 $0x1;
	_ =	shalt  }
.Lfunc_end2:
_tile_overlayer_lowered:
.L_overlay_start_2:
0xf3: {  	(tag) =	ssettag $0x2  }
0xf4: {  	s0 =	rddreg [dreg:$0x0];
	s2 =	stileid.u32  }
0xf5: {  	s1 =	rddreg [dreg:$0x1];
	p0 =	sne.s32 s2, $0x0  }
0xf6: {  	s3 =	rddreg [dreg:$0x2];
	[bflag:$0x3] =	sbarrier.arrive $0xFFFF;
	s2 =	simm.s32 @!p0 $0x1C07  }
0xf7: {  	[timem:s3], [sflag:s2] =	dma.local @!p0 [hbm:s0], s1  }
0xf8: {  	s0 =	simm.s32 @!p0 $0x7  }
0xf9: {  	_ =	swait.ge @!p0 [sflag:s0], s1  }
0xfa: {  	s1 =	ssub.s32 @!p0 $0x0, s1;
	[sflag:s0] =	ssyncset.done @!p0 $0x0  }
0xfb: {  	[sflag:s0] =	ssyncadd.s32 @!p0 s1  }
0xfc: {  	[bflag:$0x3] =	sbarrier.arrive $0xFFFF  }
0xfd: {  	_ =	shalt  }

</sc_bundles>
